<compile_context>
chip_gen: v7x
topology: tpu7x:2x2x1
jax: 0.10.2.dev20260603
libtpu: 0.0.44.dev20260713+nightly
codegen_flags: <defaults>
</compile_context>

<pallas_src>
import functools

import jax
import jax.numpy as jnp
from jax import lax
from jax.experimental import pallas as pl
from jax.experimental.pallas import tpu as pltpu
from jax.experimental.pallas import tpu_sc as plsc

BS = 32
C = 128
NPT = 129
NPAD = 144
N_KEEP = 5
BIG = 1e30
T = 0.07
KCHUNK = 12544
KSTEPS = 150528 // KCHUNK
NE = 16
ND = 160


def _encode_graph_body(xq_ref, xk_ref, w_ref, b_ref, queue_ref,
                       ei_ref, ev_ref, qd_ref, lpos_ref,
                       acc_ref, ei_v, ev_v, sem1, sem2):
    k = pl.program_id(0)

    @pl.when(k == 0)
    def _init():
        acc_ref[...] = jnp.zeros_like(acc_ref)

    w = w_ref[...]
    acc_ref[:BS, :] += jnp.dot(xq_ref[...], w,
                               preferred_element_type=jnp.float32)
    acc_ref[BS:, :] += jnp.dot(xk_ref[...], w,
                               preferred_element_type=jnp.float32)

    @pl.when(k == KSTEPS - 1)
    def _epilogue():
        y = acc_ref[...] + b_ref[...]
        n = jnp.sqrt(jnp.sum(y * y, axis=1, keepdims=True))
        qk = y / jnp.maximum(n, 1e-12)
        _graph_math(qk, queue_ref[...], ei_v, ev_v, qd_ref, lpos_ref)
        cp1 = pltpu.make_async_copy(ei_v, ei_ref, sem1)
        cp2 = pltpu.make_async_copy(ev_v, ev_ref, sem2)
        cp1.start()
        cp2.start()
        cp1.wait()
        cp2.wait()


def _graph_math(qk, queue, ei_ref, ev_ref, qd_ref, lpos_ref):
    q = qk[:BS, :]
    kk = qk[BS:, :]
    kq = queue.T

    dqq = jnp.sum((kq[:, None, :] - kq[None, :, :]) ** 2, axis=-1)
    dq2 = jnp.sum((q[:, None, :] - kq[None, :, :]) ** 2, axis=-1)
    eqq = jnp.sqrt(dqq)
    eq = jnp.sqrt(dq2)

    neg = jnp.float32(-1e30)
    dead = jnp.float32(-3e38)
    bigf = jnp.float32(BIG)

    f = jnp.concatenate(
        [jnp.full((C, 1), neg, jnp.float32), eqq,
         jnp.full((C, NPAD - NPT), neg, jnp.float32)], axis=1)
    idx2 = lax.broadcasted_iota(jnp.int32, (C, NPAD), 1)
    workf = f
    sels, vals = [], []
    for _ in range(N_KEEP):
        cm = jnp.max(workf, axis=1, keepdims=True)
        sel = jnp.max(jnp.where(workf == cm, idx2, jnp.int32(-1)), axis=1,
                      keepdims=True)
        sels.append(sel)
        vals.append(cm)
        workf = jnp.where(idx2 == sel, dead, workf)
    fixed_idx = jnp.concatenate(sels, axis=1)
    fixed_val = jnp.concatenate(vals, axis=1)
    f5v = fixed_val[:, 4]
    in_flag = eq > f5v[None, :]

    fi4 = jnp.broadcast_to(fixed_idx[None, :, :4], (BS, C, 4))
    fv4 = jnp.broadcast_to(fixed_val[None, :, :4], (BS, C, 4))
    fv4 = jnp.where(fv4 > 0, fv4, bigf)
    i5 = jnp.broadcast_to(fixed_idx[None, :, 4:5], (BS, C, 1))
    v5 = jnp.broadcast_to(fixed_val[None, :, 4:5], (BS, C, 1))
    v5 = jnp.where((~in_flag)[:, :, None] & (v5 > 0), v5, bigf)
    iq = jnp.zeros((BS, C, 1), jnp.int32)
    vq = jnp.where((in_flag & (eq > 0))[:, :, None], eq[:, :, None], bigf)
    pad_i = lax.broadcasted_iota(jnp.int32, (BS, C, 10), 2) + jnp.int32(150)
    pad_v = jnp.full((BS, C, 10), bigf, jnp.float32)
    ei_body = jnp.concatenate([fi4, i5, iq, pad_i], axis=2)
    ev_body = jnp.concatenate([fv4, v5, vq, pad_v], axis=2)

    row0 = jnp.concatenate(
        [jnp.zeros((BS, 1), jnp.float32), eq,
         jnp.full((BS, NPAD - NPT), neg, jnp.float32)], axis=1)
    idx_r = lax.broadcasted_iota(jnp.int32, (BS, NPAD), 1)
    w0 = row0
    sels0, vals0 = [], []
    for _ in range(N_KEEP):
        cm = jnp.max(w0, axis=1, keepdims=True)
        sel = jnp.max(jnp.where(w0 == cm, idx_r, jnp.int32(-1)), axis=1,
                      keepdims=True)
        sels0.append(sel)
        vals0.append(cm)
        w0 = jnp.where(idx_r == sel, dead, w0)
    r0i = jnp.concatenate(sels0, axis=1)
    r0v = jnp.concatenate(vals0, axis=1)
    r0v = jnp.where(r0v > 0, r0v, bigf)
    pad0_i = lax.broadcasted_iota(jnp.int32, (BS, 11), 1) + jnp.int32(149)
    ei_0 = jnp.concatenate([r0i, pad0_i], axis=1)
    ev_0 = jnp.concatenate(
        [r0v, jnp.full((BS, 11), bigf, jnp.float32)], axis=1)

    ei_ref[...] = jnp.concatenate([ei_0[:, None, :], ei_body], axis=1)
    ev_ref[...] = jnp.concatenate([ev_0[:, None, :], ev_body], axis=1)
    qd_ref[...] = jnp.dot(q, queue, preferred_element_type=jnp.float32)
    lpos_ref[...] = jnp.sum(q * kk, axis=1, keepdims=True)


def _encode_and_graph(xq, xk, w, b2, queue):
    return pl.pallas_call(
        _encode_graph_body,
        grid=(KSTEPS,),
        in_specs=[
            pl.BlockSpec((BS, KCHUNK), lambda k: (k * 0, k)),
            pl.BlockSpec((BS, KCHUNK), lambda k: (k * 0, k)),
            pl.BlockSpec((KCHUNK, C), lambda k: (k, k * 0)),
            pl.BlockSpec((1, C), lambda k: (k * 0, k * 0)),
            pl.BlockSpec((C, C), lambda k: (k * 0, k * 0)),
        ],
        out_specs=(
            pl.BlockSpec(memory_space=pl.ANY),
            pl.BlockSpec(memory_space=pl.ANY),
            pl.BlockSpec((BS, C), lambda k: (k * 0, k * 0)),
            pl.BlockSpec((BS, 1), lambda k: (k * 0, k * 0)),
        ),
        out_shape=(
            jax.ShapeDtypeStruct((BS, NPT, NE), jnp.int32),
            jax.ShapeDtypeStruct((BS, NPT, NE), jnp.float32),
            jax.ShapeDtypeStruct((BS, C), jnp.float32),
            jax.ShapeDtypeStruct((BS, 1), jnp.float32),
        ),
        scratch_shapes=[
            pltpu.VMEM((2 * BS, C), jnp.float32),
            pltpu.VMEM((BS, NPT, NE), jnp.int32),
            pltpu.VMEM((BS, NPT, NE), jnp.float32),
            pltpu.SemaphoreType.DMA,
            pltpu.SemaphoreType.DMA,
        ],
        compiler_params=pltpu.CompilerParams(
            vmem_limit_bytes=100 * 1024 * 1024),
    )(xq, xk, w, b2, queue)


NCHUNK = ND // 16


def _dijkstra_body(ei_hbm, ev_hbm, out_hbm, ei_v, ev_v, dist_v, vis_v,
                   dmask_v):
    wid = lax.axis_index("s") * 2 + lax.axis_index("c")
    pltpu.sync_copy(ei_hbm.at[wid], ei_v)
    pltpu.sync_copy(ev_hbm.at[wid], ev_v)

    lane = lax.iota(jnp.int32, 16)
    bigv = jnp.full((16,), jnp.float32(BIG), jnp.float32)
    for j in range(NCHUNK):
        lj = lane + 16 * j
        d0 = jnp.where(lj == 0, jnp.float32(0.0), jnp.float32(BIG))
        v0 = jnp.where(lj < NPT, jnp.float32(0.0), jnp.float32(BIG))
        dist_v[pl.ds(16 * j, 16)] = d0
        vis_v[pl.ds(16 * j, 16)] = v0
        dmask_v[pl.ds(16 * j, 16)] = d0 + v0

    def step(_, carry):
        mvec = dmask_v[pl.ds(0, 16)]
        bvec = jnp.zeros((16,), jnp.int32)
        for j in range(1, NCHUNK):
            cj = dmask_v[pl.ds(16 * j, 16)]
            lt = cj < mvec
            mvec = jnp.where(lt, cj, mvec)
            bvec = jnp.where(lt, jnp.int32(j), bvec)
        m = jnp.min(mvec)
        v = jnp.min(jnp.where(mvec == m, bvec * 16 + lane, jnp.int32(10_000)))
        ei = ei_v[v, :]
        ev = ev_v[v, :]
        nd = m + ev
        cur = plsc.load_gather(dist_v, [ei])
        new = jnp.minimum(cur, nd)
        plsc.store_scatter(dist_v, [ei], new)
        visg = plsc.load_gather(vis_v, [ei])
        plsc.store_scatter(dmask_v, [ei], new + visg)
        vfull = jnp.full((16,), jnp.int32(0), jnp.int32) + v
        m0 = lane == 0
        plsc.store_scatter(vis_v, [vfull], bigv, mask=m0)
        plsc.store_scatter(dmask_v, [vfull], bigv, mask=m0)
        return carry

    lax.fori_loop(jnp.int32(0), jnp.int32(NPT), step, jnp.int32(0))
    pltpu.sync_copy(dist_v, out_hbm.at[wid])


def _dijkstra_sc(eidx, evals):
    mesh = plsc.VectorSubcoreMesh(core_axis_name="c", subcore_axis_name="s")
    f = pl.kernel(
        _dijkstra_body,
        out_type=jax.ShapeDtypeStruct((BS, ND), jnp.float32),
        mesh=mesh,
        scratch_types=[
            pltpu.VMEM((NPT, NE), jnp.int32),
            pltpu.VMEM((NPT, NE), jnp.float32),
            pltpu.VMEM((ND,), jnp.float32),
            pltpu.VMEM((ND,), jnp.float32),
            pltpu.VMEM((ND,), jnp.float32),
        ],
        compiler_params=pltpu.CompilerParams(needs_layout_passes=False),
    )
    return f(eidx, evals)


def _finish_body(dist_ref, qd_ref, lpos_ref, out_ref):
    d = dist_ref[...]
    col = lax.broadcasted_iota(jnp.int32, (BS, ND), 1)
    valid = (col >= 1) & (col < NPT)
    reach = d < jnp.float32(1e29)
    mx = jnp.max(jnp.where(valid & reach, d, jnp.float32(0.0)))
    newd = jnp.where(reach, d, mx + 1.0)
    wgt = 1.0 / (1.0 + newd)
    wk = wgt[:, 1:NPT]
    logits = jnp.concatenate([lpos_ref[...], qd_ref[...] * wk], axis=1) / T
    out_ref[...] = logits


def _finish(dist, qdots, lpos):
    return pl.pallas_call(
        _finish_body,
        out_shape=jax.ShapeDtypeStruct((BS, NPT), jnp.float32),
    )(dist, qdots, lpos)


def kernel(img_q, img_k, Wq, bq, queue):
    eidx, evals, qdots, lpos = _encode_and_graph(
        img_q.reshape(BS, -1), img_k.reshape(BS, -1),
        Wq, bq.reshape(1, C), queue)
    dist = _dijkstra_sc(eidx, evals)
    logits = _finish(dist, qdots, lpos)
    labels = jnp.zeros((BS,), dtype=jnp.int32)
    return logits, labels

# --- scband reference (transcript-rebuilt; emitter-appended) ---
"""Pipeline reference for scband-sm-co-model-75600014344328 (READ-ONLY COPY).

The authoritative reference and input builder live on the scoring server;
editing this copy changes nothing except your own understanding.
"""

import jax, jax.numpy as jnp
import numpy as np
import heapq

jax.config.update("jax_enable_x64", True)

FEATURE_DIM = 128
K_QUEUE = 128
N_NODE = 5
T = 0.07


def _normalize(x, axis=-1, eps=1e-12):
    n = jnp.sqrt(jnp.sum(x * x, axis=axis, keepdims=True))
    return x / jnp.maximum(n, eps)


def _dijkstra_np(adj):
    # Faithful port of SmCoModel._dijkstra: edges with weight < 0 skipped,
    # weight == 0 off-diagonal skipped; Dijkstra from node 0 with a priority queue.
    n = adj.shape[0]
    dist = np.full(n, np.inf, dtype=np.float64)
    dist[0] = 0.0
    h = [(0.0, 0)]
    while h:
        dv, v = heapq.heappop(h)
        if dv != dist[v]:
            continue
        row = adj[v]
        for i in range(n):
            w = float(row[i])
            if w < 0:
                continue
            if w == 0 and i != v:
                continue
            nd = dist[v] + w
            if nd < dist[i]:
                dist[i] = nd
                heapq.heappush(h, (nd, i))
    return dist


def _dijkstra_jax(adj):
    # Dense Dijkstra from node 0 with the same edge-skipping rules as
    # _dijkstra_np: weight < 0 skipped, weight == 0 off-diagonal skipped.
    n = adj.shape[0]
    a = adj.astype(jnp.float64)
    eye = jnp.eye(n, dtype=bool)
    w = jnp.where(a < 0, jnp.inf, jnp.where((a == 0) & (~eye), jnp.inf, a))
    dist0 = jnp.full((n,), jnp.inf, dtype=jnp.float64).at[0].set(0.0)
    visited0 = jnp.zeros((n,), dtype=bool)

    def body(_, carry):
        dist, visited = carry
        d = jnp.where(visited, jnp.inf, dist)
        v = jnp.argmin(d)
        visited = visited.at[v].set(True)
        dist = jnp.minimum(dist, dist[v] + w[v])
        return dist, visited

    dist, _ = jax.lax.fori_loop(0, n, body, (dist0, visited0))
    return dist


def _weight_isomap(q, queue, n_node=N_NODE):
    # q: [bs, c] (detached), queue: [c, K]
    bs = q.shape[0]
    kq = queue.T  # [K, c]
    allpts = jnp.concatenate([q[:, None, :], jnp.broadcast_to(kq[None], (bs,) + kq.shape)], axis=1)  # [bs, K+1, c]
    n = allpts.shape[1]
    diff = allpts[:, :, None, :] - allpts[:, None, :, :]
    all_eluc = jnp.sqrt(jnp.sum(diff * diff, axis=-1))  # [bs, n, n]
    k_small = n - n_node
    # torch.topk(largest=False, sorted=True): indices of k_small smallest per row
    idx = jnp.argsort(all_eluc, axis=-1)[:, :, :k_small]
    bi = jnp.arange(bs)[:, None, None]
    ri = jnp.arange(n)[None, :, None]
    mask = jnp.zeros((bs, n, n), dtype=bool).at[bi, ri, idx].set(True)
    new_all = jnp.where(mask, -1.0, all_eluc)  # torch.scatter with src = -1
    dist = jax.vmap(_dijkstra_jax)(new_all)  # [bs, n] float64
    dist = dist[:, 1:]  # drop the query node column
    finite = jnp.where(jnp.isinf(dist), 0.0, dist)
    mx = jnp.max(finite)
    newd = jnp.where(jnp.isinf(dist), mx + 1.0, dist)
    weight = 1.0 / (1.0 + newd)
    return jnp.asarray(weight, dtype=jnp.float32)


def setup_inputs(seed: int = 0):
    key = jax.random.key(seed)
    k1, k2, k3, k4 = jax.random.split(key, 4)
    bs = 32
    img_q = jax.random.normal(k1, (bs, 3, 224, 224), dtype=jnp.float32)
    img_k = jax.random.normal(k2, (bs, 3, 224, 224), dtype=jnp.float32)
    in_dim = 3 * 224 * 224
    # base_encoder modeled as flatten + Linear(in_dim -> feature_dim);
    # encoder_k params are copied from encoder_q at init, and the momentum
    # update with equal params is the identity, so a single (Wq, bq) suffices.
    Wq = jax.random.normal(k3, (in_dim, FEATURE_DIM), dtype=jnp.float32) * 0.01
    bq = jnp.zeros((FEATURE_DIM,), dtype=jnp.float32)
    queue = jax.random.normal(k4, (FEATURE_DIM, K_QUEUE), dtype=jnp.float32)
    queue = queue / jnp.linalg.norm(queue, axis=0, keepdims=True)  # F.normalize(dim=0)
    return {"img_q": img_q, "img_k": img_k, "Wq": Wq, "bq": bq, "queue": queue}


def reference(img_q, img_k, Wq, bq, queue):
    bs = img_q.shape[0]
    q = _normalize(img_q.reshape(bs, -1) @ Wq + bq, axis=-1)
    # key encoder shares params (init copy + identity momentum update); no_grad in torch
    k = jax.lax.stop_gradient(_normalize(img_k.reshape(bs, -1) @ Wq + bq, axis=-1))
    weight = _weight_isomap(jax.lax.stop_gradient(q), queue)  # [bs, K]
    bwq = queue[None, :, :] * weight[:, None, :]  # einsum('bck,bk->bck')
    l_pos = jnp.sum(q * k, axis=1)[:, None]
    l_neg = jnp.einsum('nc,nck->nk', q, bwq)
    logits = jnp.concatenate([l_pos, l_neg], axis=1) / T
    labels = jnp.zeros((logits.shape[0],), dtype=jnp.int32)
    # _dequeue_and_enqueue mutates the queue buffer but does not affect the return value
    return logits, labels

if __name__ == "__main__":
    import jax
    _d = setup_inputs()
    print(jax.jit(kernel)(*tuple(_d.values())))

</pallas_src>

<mosaic_0001>
#map = affine_map<(d0, d1) -> (0, 0, 0)>
#map1 = affine_map<(d0, d1) -> (0, 0)>
module attributes {stable_mosaic.version = 14 : i64} {
  func.func @_dijkstra_body(%arg0: i32, %arg1: i32, %arg2: memref<32x129x16xi32, #tpu.memory_space<hbm>>, %arg3: memref<32x129x16xf32, #tpu.memory_space<hbm>>, %arg4: memref<32x160xf32, #tpu.memory_space<hbm>>, %arg5: memref<129x16xi32, #tpu.memory_space<vmem>>, %arg6: memref<129x16xf32, #tpu.memory_space<vmem>>, %arg7: memref<160xf32, #tpu.memory_space<vmem>>, %arg8: memref<160xf32, #tpu.memory_space<vmem>>, %arg9: memref<160xf32, #tpu.memory_space<vmem>>) attributes {dimension_semantics = [#tpu.dimension_semantics<core_parallel>, #tpu.dimension_semantics<subcore_parallel>], iteration_bounds = array<i64: 2, 16>, scalar_prefetch = 0 : i64, scratch_operands = 5 : i64, tpu.core_type = #tpu.core_type<sc_vector_subcore>, window_params = [{transform_indices = #map}, {transform_indices = #map}, {transform_indices = #map1}]} {
    %mul3A = arith.constant 2 : i32
    %mul3A_0 = arith.muli %arg1, %mul3A : i32
    %add3A = arith.addi %mul3A_0, %arg0 : i32
    "tpu.region"() ({
      %run_scoped3A = tpu.sem_alloc : memref<!tpu.dma_semaphore, #tpu.memory_space<semaphore_mem>>
      %dma_start3A = arith.constant 0 : i32
      %dma_start3A_267 = arith.constant 0 : i32
      %dma_start3A_268 = tpu.memref_slice %arg2[%add3A, %dma_start3A, %dma_start3A_267] : memref<32x129x16xi32, #tpu.memory_space<hbm>> -> memref<1x129x16xi32, #tpu.memory_space<hbm>>
      %dma_start3A_269 = tpu.memref_squeeze %dma_start3A_268 : memref<1x129x16xi32, #tpu.memory_space<hbm>> -> memref<129x16xi32, #tpu.memory_space<hbm>>
      %dma_start3A_270 = arith.constant 0 : i32
      %dma_start3A_271 = arith.constant 0 : i32
      %dma_start3A_272 = tpu.memref_slice %arg2[%add3A, %dma_start3A_270, %dma_start3A_271] : memref<32x129x16xi32, #tpu.memory_space<hbm>> -> memref<1x129x16xi32, #tpu.memory_space<hbm>>
      %dma_start3A_273 = tpu.memref_squeeze %dma_start3A_272 : memref<1x129x16xi32, #tpu.memory_space<hbm>> -> memref<129x16xi32, #tpu.memory_space<hbm>>
      tpu.enqueue_dma source(%dma_start3A_273 : memref<129x16xi32, #tpu.memory_space<hbm>>) target(%arg5 : memref<129x16xi32, #tpu.memory_space<vmem>>) target_semaphore(%run_scoped3A : memref<!tpu.dma_semaphore, #tpu.memory_space<semaphore_mem>>)
      %dma_wait3A = arith.constant 0 : i32
      %dma_wait3A_274 = arith.constant 0 : i32
      %dma_wait3A_275 = tpu.memref_slice %arg2[%add3A, %dma_wait3A, %dma_wait3A_274] : memref<32x129x16xi32, #tpu.memory_space<hbm>> -> memref<1x129x16xi32, #tpu.memory_space<hbm>>
      %dma_wait3A_276 = tpu.memref_squeeze %dma_wait3A_275 : memref<1x129x16xi32, #tpu.memory_space<hbm>> -> memref<129x16xi32, #tpu.memory_space<hbm>>
      %dma_wait3A_277 = arith.constant 0 : i32
      %dma_wait3A_278 = arith.constant 0 : i32
      %dma_wait3A_279 = tpu.memref_slice %arg2[%add3A, %dma_wait3A_277, %dma_wait3A_278] : memref<32x129x16xi32, #tpu.memory_space<hbm>> -> memref<1x129x16xi32, #tpu.memory_space<hbm>>
      %dma_wait3A_280 = tpu.memref_squeeze %dma_wait3A_279 : memref<1x129x16xi32, #tpu.memory_space<hbm>> -> memref<129x16xi32, #tpu.memory_space<hbm>>
      tpu.wait_dma2 semaphore(%run_scoped3A : memref<!tpu.dma_semaphore, #tpu.memory_space<semaphore_mem>>) src(%dma_wait3A_280 : memref<129x16xi32, #tpu.memory_space<hbm>>) dst(%arg5 : memref<129x16xi32, #tpu.memory_space<vmem>>)
      tpu.yield
    }) : () -> ()
    "tpu.region"() ({
      %run_scoped3A = tpu.sem_alloc : memref<!tpu.dma_semaphore, #tpu.memory_space<semaphore_mem>>
      %dma_start3A = arith.constant 0 : i32
      %dma_start3A_267 = arith.constant 0 : i32
      %dma_start3A_268 = tpu.memref_slice %arg3[%add3A, %dma_start3A, %dma_start3A_267] : memref<32x129x16xf32, #tpu.memory_space<hbm>> -> memref<1x129x16xf32, #tpu.memory_space<hbm>>
      %dma_start3A_269 = tpu.memref_squeeze %dma_start3A_268 : memref<1x129x16xf32, #tpu.memory_space<hbm>> -> memref<129x16xf32, #tpu.memory_space<hbm>>
      %dma_start3A_270 = arith.constant 0 : i32
      %dma_start3A_271 = arith.constant 0 : i32
      %dma_start3A_272 = tpu.memref_slice %arg3[%add3A, %dma_start3A_270, %dma_start3A_271] : memref<32x129x16xf32, #tpu.memory_space<hbm>> -> memref<1x129x16xf32, #tpu.memory_space<hbm>>
      %dma_start3A_273 = tpu.memref_squeeze %dma_start3A_272 : memref<1x129x16xf32, #tpu.memory_space<hbm>> -> memref<129x16xf32, #tpu.memory_space<hbm>>
      tpu.enqueue_dma source(%dma_start3A_273 : memref<129x16xf32, #tpu.memory_space<hbm>>) target(%arg6 : memref<129x16xf32, #tpu.memory_space<vmem>>) target_semaphore(%run_scoped3A : memref<!tpu.dma_semaphore, #tpu.memory_space<semaphore_mem>>)
      %dma_wait3A = arith.constant 0 : i32
      %dma_wait3A_274 = arith.constant 0 : i32
      %dma_wait3A_275 = tpu.memref_slice %arg3[%add3A, %dma_wait3A, %dma_wait3A_274] : memref<32x129x16xf32, #tpu.memory_space<hbm>> -> memref<1x129x16xf32, #tpu.memory_space<hbm>>
      %dma_wait3A_276 = tpu.memref_squeeze %dma_wait3A_275 : memref<1x129x16xf32, #tpu.memory_space<hbm>> -> memref<129x16xf32, #tpu.memory_space<hbm>>
      %dma_wait3A_277 = arith.constant 0 : i32
      %dma_wait3A_278 = arith.constant 0 : i32
      %dma_wait3A_279 = tpu.memref_slice %arg3[%add3A, %dma_wait3A_277, %dma_wait3A_278] : memref<32x129x16xf32, #tpu.memory_space<hbm>> -> memref<1x129x16xf32, #tpu.memory_space<hbm>>
      %dma_wait3A_280 = tpu.memref_squeeze %dma_wait3A_279 : memref<1x129x16xf32, #tpu.memory_space<hbm>> -> memref<129x16xf32, #tpu.memory_space<hbm>>
      tpu.wait_dma2 semaphore(%run_scoped3A : memref<!tpu.dma_semaphore, #tpu.memory_space<semaphore_mem>>) src(%dma_wait3A_280 : memref<129x16xf32, #tpu.memory_space<hbm>>) dst(%arg6 : memref<129x16xf32, #tpu.memory_space<vmem>>)
      tpu.yield
    }) : () -> ()
    %iota3A = tpu.iota {dimensions = array<i32: 0>} : vector<16xi32>
    %broadcast_in_dim3A = arith.constant 1.000000e+30 : f32
    %broadcast_in_dim3A_1 = vector.broadcast %broadcast_in_dim3A : f32 to vector<16xf32>
    %add3A_2 = arith.constant 0 : i32
    %add3A_3 = vector.broadcast %add3A_2 : i32 to vector<16xi32>
    %add3A_4 = arith.addi %iota3A, %add3A_3 : vector<16xi32>
    %eq3A = arith.constant 0 : i32
    %eq3A_5 = vector.broadcast %eq3A : i32 to vector<16xi32>
    %eq3A_6 = arith.cmpi eq, %add3A_4, %eq3A_5 : vector<16xi32>
    %jit3A = arith.constant 0.000000e+00 : f32
    %jit3A_7 = arith.constant 1.000000e+30 : f32
    %broadcast_in_dim3A_8 = vector.broadcast %jit3A : f32 to vector<16xf32>
    %broadcast_in_dim3A_9 = vector.broadcast %jit3A_7 : f32 to vector<16xf32>
    %select_n3A = arith.select %eq3A_6, %broadcast_in_dim3A_8, %broadcast_in_dim3A_9 : vector<16xi1>, vector<16xf32>
    %lt3A = arith.constant 129 : i32
    %lt3A_10 = vector.broadcast %lt3A : i32 to vector<16xi32>
    %lt3A_11 = arith.cmpi slt, %add3A_4, %lt3A_10 : vector<16xi32>
    %jit3A_12 = arith.constant 0.000000e+00 : f32
    %jit3A_13 = arith.constant 1.000000e+30 : f32
    %broadcast_in_dim3A_14 = vector.broadcast %jit3A_12 : f32 to vector<16xf32>
    %broadcast_in_dim3A_15 = vector.broadcast %jit3A_13 : f32 to vector<16xf32>
    %select_n3A_16 = arith.select %lt3A_11, %broadcast_in_dim3A_14, %broadcast_in_dim3A_15 : vector<16xi1>, vector<16xf32>
    %swap3A = arith.constant 0 : index
    %swap3A_17 = tpu.vector_load %arg7[%swap3A] {strides = array<i32>} : memref<160xf32, #tpu.memory_space<vmem>>, vector<16xf32>,
    tpu.vector_store %arg7[%swap3A], %select_n3A {strides = array<i32>} : memref<160xf32, #tpu.memory_space<vmem>>, vector<16xf32>,
    %swap3A_18 = arith.constant 0 : index
    %swap3A_19 = tpu.vector_load %arg8[%swap3A_18] {strides = array<i32>} : memref<160xf32, #tpu.memory_space<vmem>>, vector<16xf32>,
    tpu.vector_store %arg8[%swap3A_18], %select_n3A_16 {strides = array<i32>} : memref<160xf32, #tpu.memory_space<vmem>>, vector<16xf32>,
    %add3A_20 = arith.addf %select_n3A, %select_n3A_16 : vector<16xf32>
    %swap3A_21 = arith.constant 0 : index
    %swap3A_22 = tpu.vector_load %arg9[%swap3A_21] {strides = array<i32>} : memref<160xf32, #tpu.memory_space<vmem>>, vector<16xf32>,
    tpu.vector_store %arg9[%swap3A_21], %add3A_20 {strides = array<i32>} : memref<160xf32, #tpu.memory_space<vmem>>, vector<16xf32>,
    %add3A_23 = arith.constant 16 : i32
    %add3A_24 = vector.broadcast %add3A_23 : i32 to vector<16xi32>
    %add3A_25 = arith.addi %iota3A, %add3A_24 : vector<16xi32>
    %eq3A_26 = arith.constant 0 : i32
    %eq3A_27 = vector.broadcast %eq3A_26 : i32 to vector<16xi32>
    %eq3A_28 = arith.cmpi eq, %add3A_25, %eq3A_27 : vector<16xi32>
    %jit3A_29 = arith.constant 0.000000e+00 : f32
    %jit3A_30 = arith.constant 1.000000e+30 : f32
    %broadcast_in_dim3A_31 = vector.broadcast %jit3A_29 : f32 to vector<16xf32>
    %broadcast_in_dim3A_32 = vector.broadcast %jit3A_30 : f32 to vector<16xf32>
    %select_n3A_33 = arith.select %eq3A_28, %broadcast_in_dim3A_31, %broadcast_in_dim3A_32 : vector<16xi1>, vector<16xf32>
    %lt3A_34 = arith.constant 129 : i32
    %lt3A_35 = vector.broadcast %lt3A_34 : i32 to vector<16xi32>
    %lt3A_36 = arith.cmpi slt, %add3A_25, %lt3A_35 : vector<16xi32>
    %jit3A_37 = arith.constant 0.000000e+00 : f32
    %jit3A_38 = arith.constant 1.000000e+30 : f32
    %broadcast_in_dim3A_39 = vector.broadcast %jit3A_37 : f32 to vector<16xf32>
    %broadcast_in_dim3A_40 = vector.broadcast %jit3A_38 : f32 to vector<16xf32>
    %select_n3A_41 = arith.select %lt3A_36, %broadcast_in_dim3A_39, %broadcast_in_dim3A_40 : vector<16xi1>, vector<16xf32>
    %swap3A_42 = arith.constant 16 : index
    %swap3A_43 = tpu.vector_load %arg7[%swap3A_42] {strides = array<i32>} : memref<160xf32, #tpu.memory_space<vmem>>, vector<16xf32>,
    tpu.vector_store %arg7[%swap3A_42], %select_n3A_33 {strides = array<i32>} : memref<160xf32, #tpu.memory_space<vmem>>, vector<16xf32>,
    %swap3A_44 = arith.constant 16 : index
    %swap3A_45 = tpu.vector_load %arg8[%swap3A_44] {strides = array<i32>} : memref<160xf32, #tpu.memory_space<vmem>>, vector<16xf32>,
    tpu.vector_store %arg8[%swap3A_44], %select_n3A_41 {strides = array<i32>} : memref<160xf32, #tpu.memory_space<vmem>>, vector<16xf32>,
    %add3A_46 = arith.addf %select_n3A_33, %select_n3A_41 : vector<16xf32>
    %swap3A_47 = arith.constant 16 : index
    %swap3A_48 = tpu.vector_load %arg9[%swap3A_47] {strides = array<i32>} : memref<160xf32, #tpu.memory_space<vmem>>, vector<16xf32>,
    tpu.vector_store %arg9[%swap3A_47], %add3A_46 {strides = array<i32>} : memref<160xf32, #tpu.memory_space<vmem>>, vector<16xf32>,
    %add3A_49 = arith.constant 32 : i32
    %add3A_50 = vector.broadcast %add3A_49 : i32 to vector<16xi32>
    %add3A_51 = arith.addi %iota3A, %add3A_50 : vector<16xi32>
    %eq3A_52 = arith.constant 0 : i32
    %eq3A_53 = vector.broadcast %eq3A_52 : i32 to vector<16xi32>
    %eq3A_54 = arith.cmpi eq, %add3A_51, %eq3A_53 : vector<16xi32>
    %jit3A_55 = arith.constant 0.000000e+00 : f32
    %jit3A_56 = arith.constant 1.000000e+30 : f32
    %broadcast_in_dim3A_57 = vector.broadcast %jit3A_55 : f32 to vector<16xf32>
    %broadcast_in_dim3A_58 = vector.broadcast %jit3A_56 : f32 to vector<16xf32>
    %select_n3A_59 = arith.select %eq3A_54, %broadcast_in_dim3A_57, %broadcast_in_dim3A_58 : vector<16xi1>, vector<16xf32>
    %lt3A_60 = arith.constant 129 : i32
    %lt3A_61 = vector.broadcast %lt3A_60 : i32 to vector<16xi32>
    %lt3A_62 = arith.cmpi slt, %add3A_51, %lt3A_61 : vector<16xi32>
    %jit3A_63 = arith.constant 0.000000e+00 : f32
    %jit3A_64 = arith.constant 1.000000e+30 : f32
    %broadcast_in_dim3A_65 = vector.broadcast %jit3A_63 : f32 to vector<16xf32>
    %broadcast_in_dim3A_66 = vector.broadcast %jit3A_64 : f32 to vector<16xf32>
    %select_n3A_67 = arith.select %lt3A_62, %broadcast_in_dim3A_65, %broadcast_in_dim3A_66 : vector<16xi1>, vector<16xf32>
    %swap3A_68 = arith.constant 32 : index
    %swap3A_69 = tpu.vector_load %arg7[%swap3A_68] {strides = array<i32>} : memref<160xf32, #tpu.memory_space<vmem>>, vector<16xf32>,
    tpu.vector_store %arg7[%swap3A_68], %select_n3A_59 {strides = array<i32>} : memref<160xf32, #tpu.memory_space<vmem>>, vector<16xf32>,
    %swap3A_70 = arith.constant 32 : index
    %swap3A_71 = tpu.vector_load %arg8[%swap3A_70] {strides = array<i32>} : memref<160xf32, #tpu.memory_space<vmem>>, vector<16xf32>,
    tpu.vector_store %arg8[%swap3A_70], %select_n3A_67 {strides = array<i32>} : memref<160xf32, #tpu.memory_space<vmem>>, vector<16xf32>,
    %add3A_72 = arith.addf %select_n3A_59, %select_n3A_67 : vector<16xf32>
    %swap3A_73 = arith.constant 32 : index
    %swap3A_74 = tpu.vector_load %arg9[%swap3A_73] {strides = array<i32>} : memref<160xf32, #tpu.memory_space<vmem>>, vector<16xf32>,
    tpu.vector_store %arg9[%swap3A_73], %add3A_72 {strides = array<i32>} : memref<160xf32, #tpu.memory_space<vmem>>, vector<16xf32>,
    %add3A_75 = arith.constant 48 : i32
    %add3A_76 = vector.broadcast %add3A_75 : i32 to vector<16xi32>
    %add3A_77 = arith.addi %iota3A, %add3A_76 : vector<16xi32>
    %eq3A_78 = arith.constant 0 : i32
    %eq3A_79 = vector.broadcast %eq3A_78 : i32 to vector<16xi32>
    %eq3A_80 = arith.cmpi eq, %add3A_77, %eq3A_79 : vector<16xi32>
    %jit3A_81 = arith.constant 0.000000e+00 : f32
    %jit3A_82 = arith.constant 1.000000e+30 : f32
    %broadcast_in_dim3A_83 = vector.broadcast %jit3A_81 : f32 to vector<16xf32>
    %broadcast_in_dim3A_84 = vector.broadcast %jit3A_82 : f32 to vector<16xf32>
    %select_n3A_85 = arith.select %eq3A_80, %broadcast_in_dim3A_83, %broadcast_in_dim3A_84 : vector<16xi1>, vector<16xf32>
    %lt3A_86 = arith.constant 129 : i32
    %lt3A_87 = vector.broadcast %lt3A_86 : i32 to vector<16xi32>
    %lt3A_88 = arith.cmpi slt, %add3A_77, %lt3A_87 : vector<16xi32>
    %jit3A_89 = arith.constant 0.000000e+00 : f32
    %jit3A_90 = arith.constant 1.000000e+30 : f32
    %broadcast_in_dim3A_91 = vector.broadcast %jit3A_89 : f32 to vector<16xf32>
    %broadcast_in_dim3A_92 = vector.broadcast %jit3A_90 : f32 to vector<16xf32>
    %select_n3A_93 = arith.select %lt3A_88, %broadcast_in_dim3A_91, %broadcast_in_dim3A_92 : vector<16xi1>, vector<16xf32>
    %swap3A_94 = arith.constant 48 : index
    %swap3A_95 = tpu.vector_load %arg7[%swap3A_94] {strides = array<i32>} : memref<160xf32, #tpu.memory_space<vmem>>, vector<16xf32>,
    tpu.vector_store %arg7[%swap3A_94], %select_n3A_85 {strides = array<i32>} : memref<160xf32, #tpu.memory_space<vmem>>, vector<16xf32>,
    %swap3A_96 = arith.constant 48 : index
    %swap3A_97 = tpu.vector_load %arg8[%swap3A_96] {strides = array<i32>} : memref<160xf32, #tpu.memory_space<vmem>>, vector<16xf32>,
    tpu.vector_store %arg8[%swap3A_96], %select_n3A_93 {strides = array<i32>} : memref<160xf32, #tpu.memory_space<vmem>>, vector<16xf32>,
    %add3A_98 = arith.addf %select_n3A_85, %select_n3A_93 : vector<16xf32>
    %swap3A_99 = arith.constant 48 : index
    %swap3A_100 = tpu.vector_load %arg9[%swap3A_99] {strides = array<i32>} : memref<160xf32, #tpu.memory_space<vmem>>, vector<16xf32>,
    tpu.vector_store %arg9[%swap3A_99], %add3A_98 {strides = array<i32>} : memref<160xf32, #tpu.memory_space<vmem>>, vector<16xf32>,
    %add3A_101 = arith.constant 64 : i32
    %add3A_102 = vector.broadcast %add3A_101 : i32 to vector<16xi32>
    %add3A_103 = arith.addi %iota3A, %add3A_102 : vector<16xi32>
    %eq3A_104 = arith.constant 0 : i32
    %eq3A_105 = vector.broadcast %eq3A_104 : i32 to vector<16xi32>
    %eq3A_106 = arith.cmpi eq, %add3A_103, %eq3A_105 : vector<16xi32>
    %jit3A_107 = arith.constant 0.000000e+00 : f32
    %jit3A_108 = arith.constant 1.000000e+30 : f32
    %broadcast_in_dim3A_109 = vector.broadcast %jit3A_107 : f32 to vector<16xf32>
    %broadcast_in_dim3A_110 = vector.broadcast %jit3A_108 : f32 to vector<16xf32>
    %select_n3A_111 = arith.select %eq3A_106, %broadcast_in_dim3A_109, %broadcast_in_dim3A_110 : vector<16xi1>, vector<16xf32>
    %lt3A_112 = arith.constant 129 : i32
    %lt3A_113 = vector.broadcast %lt3A_112 : i32 to vector<16xi32>
    %lt3A_114 = arith.cmpi slt, %add3A_103, %lt3A_113 : vector<16xi32>
    %jit3A_115 = arith.constant 0.000000e+00 : f32
    %jit3A_116 = arith.constant 1.000000e+30 : f32
    %broadcast_in_dim3A_117 = vector.broadcast %jit3A_115 : f32 to vector<16xf32>
    %broadcast_in_dim3A_118 = vector.broadcast %jit3A_116 : f32 to vector<16xf32>
    %select_n3A_119 = arith.select %lt3A_114, %broadcast_in_dim3A_117, %broadcast_in_dim3A_118 : vector<16xi1>, vector<16xf32>
    %swap3A_120 = arith.constant 64 : index
    %swap3A_121 = tpu.vector_load %arg7[%swap3A_120] {strides = array<i32>} : memref<160xf32, #tpu.memory_space<vmem>>, vector<16xf32>,
    tpu.vector_store %arg7[%swap3A_120], %select_n3A_111 {strides = array<i32>} : memref<160xf32, #tpu.memory_space<vmem>>, vector<16xf32>,
    %swap3A_122 = arith.constant 64 : index
    %swap3A_123 = tpu.vector_load %arg8[%swap3A_122] {strides = array<i32>} : memref<160xf32, #tpu.memory_space<vmem>>, vector<16xf32>,
    tpu.vector_store %arg8[%swap3A_122], %select_n3A_119 {strides = array<i32>} : memref<160xf32, #tpu.memory_space<vmem>>, vector<16xf32>,
    %add3A_124 = arith.addf %select_n3A_111, %select_n3A_119 : vector<16xf32>
    %swap3A_125 = arith.constant 64 : index
    %swap3A_126 = tpu.vector_load %arg9[%swap3A_125] {strides = array<i32>} : memref<160xf32, #tpu.memory_space<vmem>>, vector<16xf32>,
    tpu.vector_store %arg9[%swap3A_125], %add3A_124 {strides = array<i32>} : memref<160xf32, #tpu.memory_space<vmem>>, vector<16xf32>,
    %add3A_127 = arith.constant 80 : i32
    %add3A_128 = vector.broadcast %add3A_127 : i32 to vector<16xi32>
    %add3A_129 = arith.addi %iota3A, %add3A_128 : vector<16xi32>
    %eq3A_130 = arith.constant 0 : i32
    %eq3A_131 = vector.broadcast %eq3A_130 : i32 to vector<16xi32>
    %eq3A_132 = arith.cmpi eq, %add3A_129, %eq3A_131 : vector<16xi32>
    %jit3A_133 = arith.constant 0.000000e+00 : f32
    %jit3A_134 = arith.constant 1.000000e+30 : f32
    %broadcast_in_dim3A_135 = vector.broadcast %jit3A_133 : f32 to vector<16xf32>
    %broadcast_in_dim3A_136 = vector.broadcast %jit3A_134 : f32 to vector<16xf32>
    %select_n3A_137 = arith.select %eq3A_132, %broadcast_in_dim3A_135, %broadcast_in_dim3A_136 : vector<16xi1>, vector<16xf32>
    %lt3A_138 = arith.constant 129 : i32
    %lt3A_139 = vector.broadcast %lt3A_138 : i32 to vector<16xi32>
    %lt3A_140 = arith.cmpi slt, %add3A_129, %lt3A_139 : vector<16xi32>
    %jit3A_141 = arith.constant 0.000000e+00 : f32
    %jit3A_142 = arith.constant 1.000000e+30 : f32
    %broadcast_in_dim3A_143 = vector.broadcast %jit3A_141 : f32 to vector<16xf32>
    %broadcast_in_dim3A_144 = vector.broadcast %jit3A_142 : f32 to vector<16xf32>
    %select_n3A_145 = arith.select %lt3A_140, %broadcast_in_dim3A_143, %broadcast_in_dim3A_144 : vector<16xi1>, vector<16xf32>
    %swap3A_146 = arith.constant 80 : index
    %swap3A_147 = tpu.vector_load %arg7[%swap3A_146] {strides = array<i32>} : memref<160xf32, #tpu.memory_space<vmem>>, vector<16xf32>,
    tpu.vector_store %arg7[%swap3A_146], %select_n3A_137 {strides = array<i32>} : memref<160xf32, #tpu.memory_space<vmem>>, vector<16xf32>,
    %swap3A_148 = arith.constant 80 : index
    %swap3A_149 = tpu.vector_load %arg8[%swap3A_148] {strides = array<i32>} : memref<160xf32, #tpu.memory_space<vmem>>, vector<16xf32>,
    tpu.vector_store %arg8[%swap3A_148], %select_n3A_145 {strides = array<i32>} : memref<160xf32, #tpu.memory_space<vmem>>, vector<16xf32>,
    %add3A_150 = arith.addf %select_n3A_137, %select_n3A_145 : vector<16xf32>
    %swap3A_151 = arith.constant 80 : index
    %swap3A_152 = tpu.vector_load %arg9[%swap3A_151] {strides = array<i32>} : memref<160xf32, #tpu.memory_space<vmem>>, vector<16xf32>,
    tpu.vector_store %arg9[%swap3A_151], %add3A_150 {strides = array<i32>} : memref<160xf32, #tpu.memory_space<vmem>>, vector<16xf32>,
    %add3A_153 = arith.constant 96 : i32
    %add3A_154 = vector.broadcast %add3A_153 : i32 to vector<16xi32>
    %add3A_155 = arith.addi %iota3A, %add3A_154 : vector<16xi32>
    %eq3A_156 = arith.constant 0 : i32
    %eq3A_157 = vector.broadcast %eq3A_156 : i32 to vector<16xi32>
    %eq3A_158 = arith.cmpi eq, %add3A_155, %eq3A_157 : vector<16xi32>
    %jit3A_159 = arith.constant 0.000000e+00 : f32
    %jit3A_160 = arith.constant 1.000000e+30 : f32
    %broadcast_in_dim3A_161 = vector.broadcast %jit3A_159 : f32 to vector<16xf32>
    %broadcast_in_dim3A_162 = vector.broadcast %jit3A_160 : f32 to vector<16xf32>
    %select_n3A_163 = arith.select %eq3A_158, %broadcast_in_dim3A_161, %broadcast_in_dim3A_162 : vector<16xi1>, vector<16xf32>
    %lt3A_164 = arith.constant 129 : i32
    %lt3A_165 = vector.broadcast %lt3A_164 : i32 to vector<16xi32>
    %lt3A_166 = arith.cmpi slt, %add3A_155, %lt3A_165 : vector<16xi32>
    %jit3A_167 = arith.constant 0.000000e+00 : f32
    %jit3A_168 = arith.constant 1.000000e+30 : f32
    %broadcast_in_dim3A_169 = vector.broadcast %jit3A_167 : f32 to vector<16xf32>
    %broadcast_in_dim3A_170 = vector.broadcast %jit3A_168 : f32 to vector<16xf32>
    %select_n3A_171 = arith.select %lt3A_166, %broadcast_in_dim3A_169, %broadcast_in_dim3A_170 : vector<16xi1>, vector<16xf32>
    %swap3A_172 = arith.constant 96 : index
    %swap3A_173 = tpu.vector_load %arg7[%swap3A_172] {strides = array<i32>} : memref<160xf32, #tpu.memory_space<vmem>>, vector<16xf32>,
    tpu.vector_store %arg7[%swap3A_172], %select_n3A_163 {strides = array<i32>} : memref<160xf32, #tpu.memory_space<vmem>>, vector<16xf32>,
    %swap3A_174 = arith.constant 96 : index
    %swap3A_175 = tpu.vector_load %arg8[%swap3A_174] {strides = array<i32>} : memref<160xf32, #tpu.memory_space<vmem>>, vector<16xf32>,
    tpu.vector_store %arg8[%swap3A_174], %select_n3A_171 {strides = array<i32>} : memref<160xf32, #tpu.memory_space<vmem>>, vector<16xf32>,
    %add3A_176 = arith.addf %select_n3A_163, %select_n3A_171 : vector<16xf32>
    %swap3A_177 = arith.constant 96 : index
    %swap3A_178 = tpu.vector_load %arg9[%swap3A_177] {strides = array<i32>} : memref<160xf32, #tpu.memory_space<vmem>>, vector<16xf32>,
    tpu.vector_store %arg9[%swap3A_177], %add3A_176 {strides = array<i32>} : memref<160xf32, #tpu.memory_space<vmem>>, vector<16xf32>,
    %add3A_179 = arith.constant 112 : i32
    %add3A_180 = vector.broadcast %add3A_179 : i32 to vector<16xi32>
    %add3A_181 = arith.addi %iota3A, %add3A_180 : vector<16xi32>
    %eq3A_182 = arith.constant 0 : i32
    %eq3A_183 = vector.broadcast %eq3A_182 : i32 to vector<16xi32>
    %eq3A_184 = arith.cmpi eq, %add3A_181, %eq3A_183 : vector<16xi32>
    %jit3A_185 = arith.constant 0.000000e+00 : f32
    %jit3A_186 = arith.constant 1.000000e+30 : f32
    %broadcast_in_dim3A_187 = vector.broadcast %jit3A_185 : f32 to vector<16xf32>
    %broadcast_in_dim3A_188 = vector.broadcast %jit3A_186 : f32 to vector<16xf32>
    %select_n3A_189 = arith.select %eq3A_184, %broadcast_in_dim3A_187, %broadcast_in_dim3A_188 : vector<16xi1>, vector<16xf32>
    %lt3A_190 = arith.constant 129 : i32
    %lt3A_191 = vector.broadcast %lt3A_190 : i32 to vector<16xi32>
    %lt3A_192 = arith.cmpi slt, %add3A_181, %lt3A_191 : vector<16xi32>
    %jit3A_193 = arith.constant 0.000000e+00 : f32
    %jit3A_194 = arith.constant 1.000000e+30 : f32
    %broadcast_in_dim3A_195 = vector.broadcast %jit3A_193 : f32 to vector<16xf32>
    %broadcast_in_dim3A_196 = vector.broadcast %jit3A_194 : f32 to vector<16xf32>
    %select_n3A_197 = arith.select %lt3A_192, %broadcast_in_dim3A_195, %broadcast_in_dim3A_196 : vector<16xi1>, vector<16xf32>
    %swap3A_198 = arith.constant 112 : index
    %swap3A_199 = tpu.vector_load %arg7[%swap3A_198] {strides = array<i32>} : memref<160xf32, #tpu.memory_space<vmem>>, vector<16xf32>,
    tpu.vector_store %arg7[%swap3A_198], %select_n3A_189 {strides = array<i32>} : memref<160xf32, #tpu.memory_space<vmem>>, vector<16xf32>,
    %swap3A_200 = arith.constant 112 : index
    %swap3A_201 = tpu.vector_load %arg8[%swap3A_200] {strides = array<i32>} : memref<160xf32, #tpu.memory_space<vmem>>, vector<16xf32>,
    tpu.vector_store %arg8[%swap3A_200], %select_n3A_197 {strides = array<i32>} : memref<160xf32, #tpu.memory_space<vmem>>, vector<16xf32>,
    %add3A_202 = arith.addf %select_n3A_189, %select_n3A_197 : vector<16xf32>
    %swap3A_203 = arith.constant 112 : index
    %swap3A_204 = tpu.vector_load %arg9[%swap3A_203] {strides = array<i32>} : memref<160xf32, #tpu.memory_space<vmem>>, vector<16xf32>,
    tpu.vector_store %arg9[%swap3A_203], %add3A_202 {strides = array<i32>} : memref<160xf32, #tpu.memory_space<vmem>>, vector<16xf32>,
    %add3A_205 = arith.constant 128 : i32
    %add3A_206 = vector.broadcast %add3A_205 : i32 to vector<16xi32>
    %add3A_207 = arith.addi %iota3A, %add3A_206 : vector<16xi32>
    %eq3A_208 = arith.constant 0 : i32
    %eq3A_209 = vector.broadcast %eq3A_208 : i32 to vector<16xi32>
    %eq3A_210 = arith.cmpi eq, %add3A_207, %eq3A_209 : vector<16xi32>
    %jit3A_211 = arith.constant 0.000000e+00 : f32
    %jit3A_212 = arith.constant 1.000000e+30 : f32
    %broadcast_in_dim3A_213 = vector.broadcast %jit3A_211 : f32 to vector<16xf32>
    %broadcast_in_dim3A_214 = vector.broadcast %jit3A_212 : f32 to vector<16xf32>
    %select_n3A_215 = arith.select %eq3A_210, %broadcast_in_dim3A_213, %broadcast_in_dim3A_214 : vector<16xi1>, vector<16xf32>
    %lt3A_216 = arith.constant 129 : i32
    %lt3A_217 = vector.broadcast %lt3A_216 : i32 to vector<16xi32>
    %lt3A_218 = arith.cmpi slt, %add3A_207, %lt3A_217 : vector<16xi32>
    %jit3A_219 = arith.constant 0.000000e+00 : f32
    %jit3A_220 = arith.constant 1.000000e+30 : f32
    %broadcast_in_dim3A_221 = vector.broadcast %jit3A_219 : f32 to vector<16xf32>
    %broadcast_in_dim3A_222 = vector.broadcast %jit3A_220 : f32 to vector<16xf32>
    %select_n3A_223 = arith.select %lt3A_218, %broadcast_in_dim3A_221, %broadcast_in_dim3A_222 : vector<16xi1>, vector<16xf32>
    %swap3A_224 = arith.constant 128 : index
    %swap3A_225 = tpu.vector_load %arg7[%swap3A_224] {strides = array<i32>} : memref<160xf32, #tpu.memory_space<vmem>>, vector<16xf32>,
    tpu.vector_store %arg7[%swap3A_224], %select_n3A_215 {strides = array<i32>} : memref<160xf32, #tpu.memory_space<vmem>>, vector<16xf32>,
    %swap3A_226 = arith.constant 128 : index
    %swap3A_227 = tpu.vector_load %arg8[%swap3A_226] {strides = array<i32>} : memref<160xf32, #tpu.memory_space<vmem>>, vector<16xf32>,
    tpu.vector_store %arg8[%swap3A_226], %select_n3A_223 {strides = array<i32>} : memref<160xf32, #tpu.memory_space<vmem>>, vector<16xf32>,
    %add3A_228 = arith.addf %select_n3A_215, %select_n3A_223 : vector<16xf32>
    %swap3A_229 = arith.constant 128 : index
    %swap3A_230 = tpu.vector_load %arg9[%swap3A_229] {strides = array<i32>} : memref<160xf32, #tpu.memory_space<vmem>>, vector<16xf32>,
    tpu.vector_store %arg9[%swap3A_229], %add3A_228 {strides = array<i32>} : memref<160xf32, #tpu.memory_space<vmem>>, vector<16xf32>,
    %add3A_231 = arith.constant 144 : i32
    %add3A_232 = vector.broadcast %add3A_231 : i32 to vector<16xi32>
    %add3A_233 = arith.addi %iota3A, %add3A_232 : vector<16xi32>
    %eq3A_234 = arith.constant 0 : i32
    %eq3A_235 = vector.broadcast %eq3A_234 : i32 to vector<16xi32>
    %eq3A_236 = arith.cmpi eq, %add3A_233, %eq3A_235 : vector<16xi32>
    %jit3A_237 = arith.constant 0.000000e+00 : f32
    %jit3A_238 = arith.constant 1.000000e+30 : f32
    %broadcast_in_dim3A_239 = vector.broadcast %jit3A_237 : f32 to vector<16xf32>
    %broadcast_in_dim3A_240 = vector.broadcast %jit3A_238 : f32 to vector<16xf32>
    %select_n3A_241 = arith.select %eq3A_236, %broadcast_in_dim3A_239, %broadcast_in_dim3A_240 : vector<16xi1>, vector<16xf32>
    %lt3A_242 = arith.constant 129 : i32
    %lt3A_243 = vector.broadcast %lt3A_242 : i32 to vector<16xi32>
    %lt3A_244 = arith.cmpi slt, %add3A_233, %lt3A_243 : vector<16xi32>
    %jit3A_245 = arith.constant 0.000000e+00 : f32
    %jit3A_246 = arith.constant 1.000000e+30 : f32
    %broadcast_in_dim3A_247 = vector.broadcast %jit3A_245 : f32 to vector<16xf32>
    %broadcast_in_dim3A_248 = vector.broadcast %jit3A_246 : f32 to vector<16xf32>
    %select_n3A_249 = arith.select %lt3A_244, %broadcast_in_dim3A_247, %broadcast_in_dim3A_248 : vector<16xi1>, vector<16xf32>
    %swap3A_250 = arith.constant 144 : index
    %swap3A_251 = tpu.vector_load %arg7[%swap3A_250] {strides = array<i32>} : memref<160xf32, #tpu.memory_space<vmem>>, vector<16xf32>,
    tpu.vector_store %arg7[%swap3A_250], %select_n3A_241 {strides = array<i32>} : memref<160xf32, #tpu.memory_space<vmem>>, vector<16xf32>,
    %swap3A_252 = arith.constant 144 : index
    %swap3A_253 = tpu.vector_load %arg8[%swap3A_252] {strides = array<i32>} : memref<160xf32, #tpu.memory_space<vmem>>, vector<16xf32>,
    tpu.vector_store %arg8[%swap3A_252], %select_n3A_249 {strides = array<i32>} : memref<160xf32, #tpu.memory_space<vmem>>, vector<16xf32>,
    %add3A_254 = arith.addf %select_n3A_241, %select_n3A_249 : vector<16xf32>
    %swap3A_255 = arith.constant 144 : index
    %swap3A_256 = tpu.vector_load %arg9[%swap3A_255] {strides = array<i32>} : memref<160xf32, #tpu.memory_space<vmem>>, vector<16xf32>,
    tpu.vector_store %arg9[%swap3A_255], %add3A_254 {strides = array<i32>} : memref<160xf32, #tpu.memory_space<vmem>>, vector<16xf32>,
    %while3A = arith.constant 0 : i32
    %while3A_257 = arith.constant 0 : i32
    %while3A_258 = arith.constant 129 : i32
    %while3A_259 = arith.subi %while3A_258, %while3A_257 : i32
    %while3A_260 = arith.addi %while3A_257, %while3A_259 : i32
    %while3A_261 = arith.constant 1 : i32
    %while3A_262 = arith.divsi %while3A_259, %while3A_261 : i32
    %while3A_263 = arith.muli %while3A_262, %while3A_261 : i32
    %while3A_264 = arith.addi %while3A_257, %while3A_263 : i32
    %while3A_265 = arith.constant 1 : i32
    scf.for %while3A_267 = %while3A_257 to %while3A_264 step %while3A_265  : i32 {
      %get3A = arith.constant 0 : index
      %get3A_268 = tpu.vector_load %arg9[%get3A] {strides = array<i32>} : memref<160xf32, #tpu.memory_space<vmem>>, vector<16xf32>,
      %broadcast_in_dim3A_269 = arith.constant 0 : i32
      %broadcast_in_dim3A_270 = vector.broadcast %broadcast_in_dim3A_269 : i32 to vector<16xi32>
      %get3A_271 = arith.constant 16 : index
      %get3A_272 = tpu.vector_load %arg9[%get3A_271] {strides = array<i32>} : memref<160xf32, #tpu.memory_space<vmem>>, vector<16xf32>,
      %lt3A_273 = arith.cmpf olt, %get3A_272, %get3A_268 : vector<16xf32>
      %select_n3A_274 = arith.select %lt3A_273, %get3A_272, %get3A_268 : vector<16xi1>, vector<16xf32>
      %jit3A_275 = arith.constant 1 : i32
      %broadcast_in_dim3A_276 = vector.broadcast %jit3A_275 : i32 to vector<16xi32>
      %select_n3A_277 = arith.select %lt3A_273, %broadcast_in_dim3A_276, %broadcast_in_dim3A_270 : vector<16xi1>, vector<16xi32>
      %get3A_278 = arith.constant 32 : index
      %get3A_279 = tpu.vector_load %arg9[%get3A_278] {strides = array<i32>} : memref<160xf32, #tpu.memory_space<vmem>>, vector<16xf32>,
      %lt3A_280 = arith.cmpf olt, %get3A_279, %select_n3A_274 : vector<16xf32>
      %select_n3A_281 = arith.select %lt3A_280, %get3A_279, %select_n3A_274 : vector<16xi1>, vector<16xf32>
      %jit3A_282 = arith.constant 2 : i32
      %broadcast_in_dim3A_283 = vector.broadcast %jit3A_282 : i32 to vector<16xi32>
      %select_n3A_284 = arith.select %lt3A_280, %broadcast_in_dim3A_283, %select_n3A_277 : vector<16xi1>, vector<16xi32>
      %get3A_285 = arith.constant 48 : index
      %get3A_286 = tpu.vector_load %arg9[%get3A_285] {strides = array<i32>} : memref<160xf32, #tpu.memory_space<vmem>>, vector<16xf32>,
      %lt3A_287 = arith.cmpf olt, %get3A_286, %select_n3A_281 : vector<16xf32>
      %select_n3A_288 = arith.select %lt3A_287, %get3A_286, %select_n3A_281 : vector<16xi1>, vector<16xf32>
      %jit3A_289 = arith.constant 3 : i32
      %broadcast_in_dim3A_290 = vector.broadcast %jit3A_289 : i32 to vector<16xi32>
      %select_n3A_291 = arith.select %lt3A_287, %broadcast_in_dim3A_290, %select_n3A_284 : vector<16xi1>, vector<16xi32>
      %get3A_292 = arith.constant 64 : index
      %get3A_293 = tpu.vector_load %arg9[%get3A_292] {strides = array<i32>} : memref<160xf32, #tpu.memory_space<vmem>>, vector<16xf32>,
      %lt3A_294 = arith.cmpf olt, %get3A_293, %select_n3A_288 : vector<16xf32>
      %select_n3A_295 = arith.select %lt3A_294, %get3A_293, %select_n3A_288 : vector<16xi1>, vector<16xf32>
      %jit3A_296 = arith.constant 4 : i32
      %broadcast_in_dim3A_297 = vector.broadcast %jit3A_296 : i32 to vector<16xi32>
      %select_n3A_298 = arith.select %lt3A_294, %broadcast_in_dim3A_297, %select_n3A_291 : vector<16xi1>, vector<16xi32>
      %get3A_299 = arith.constant 80 : index
      %get3A_300 = tpu.vector_load %arg9[%get3A_299] {strides = array<i32>} : memref<160xf32, #tpu.memory_space<vmem>>, vector<16xf32>,
      %lt3A_301 = arith.cmpf olt, %get3A_300, %select_n3A_295 : vector<16xf32>
      %select_n3A_302 = arith.select %lt3A_301, %get3A_300, %select_n3A_295 : vector<16xi1>, vector<16xf32>
      %jit3A_303 = arith.constant 5 : i32
      %broadcast_in_dim3A_304 = vector.broadcast %jit3A_303 : i32 to vector<16xi32>
      %select_n3A_305 = arith.select %lt3A_301, %broadcast_in_dim3A_304, %select_n3A_298 : vector<16xi1>, vector<16xi32>
      %get3A_306 = arith.constant 96 : index
      %get3A_307 = tpu.vector_load %arg9[%get3A_306] {strides = array<i32>} : memref<160xf32, #tpu.memory_space<vmem>>, vector<16xf32>,
      %lt3A_308 = arith.cmpf olt, %get3A_307, %select_n3A_302 : vector<16xf32>
      %select_n3A_309 = arith.select %lt3A_308, %get3A_307, %select_n3A_302 : vector<16xi1>, vector<16xf32>
      %jit3A_310 = arith.constant 6 : i32
      %broadcast_in_dim3A_311 = vector.broadcast %jit3A_310 : i32 to vector<16xi32>
      %select_n3A_312 = arith.select %lt3A_308, %broadcast_in_dim3A_311, %select_n3A_305 : vector<16xi1>, vector<16xi32>
      %get3A_313 = arith.constant 112 : index
      %get3A_314 = tpu.vector_load %arg9[%get3A_313] {strides = array<i32>} : memref<160xf32, #tpu.memory_space<vmem>>, vector<16xf32>,
      %lt3A_315 = arith.cmpf olt, %get3A_314, %select_n3A_309 : vector<16xf32>
      %select_n3A_316 = arith.select %lt3A_315, %get3A_314, %select_n3A_309 : vector<16xi1>, vector<16xf32>
      %jit3A_317 = arith.constant 7 : i32
      %broadcast_in_dim3A_318 = vector.broadcast %jit3A_317 : i32 to vector<16xi32>
      %select_n3A_319 = arith.select %lt3A_315, %broadcast_in_dim3A_318, %select_n3A_312 : vector<16xi1>, vector<16xi32>
      %get3A_320 = arith.constant 128 : index
      %get3A_321 = tpu.vector_load %arg9[%get3A_320] {strides = array<i32>} : memref<160xf32, #tpu.memory_space<vmem>>, vector<16xf32>,
      %lt3A_322 = arith.cmpf olt, %get3A_321, %select_n3A_316 : vector<16xf32>
      %select_n3A_323 = arith.select %lt3A_322, %get3A_321, %select_n3A_316 : vector<16xi1>, vector<16xf32>
      %jit3A_324 = arith.constant 8 : i32
      %broadcast_in_dim3A_325 = vector.broadcast %jit3A_324 : i32 to vector<16xi32>
      %select_n3A_326 = arith.select %lt3A_322, %broadcast_in_dim3A_325, %select_n3A_319 : vector<16xi1>, vector<16xi32>
      %get3A_327 = arith.constant 144 : index
      %get3A_328 = tpu.vector_load %arg9[%get3A_327] {strides = array<i32>} : memref<160xf32, #tpu.memory_space<vmem>>, vector<16xf32>,
      %lt3A_329 = arith.cmpf olt, %get3A_328, %select_n3A_323 : vector<16xf32>
      %select_n3A_330 = arith.select %lt3A_329, %get3A_328, %select_n3A_323 : vector<16xi1>, vector<16xf32>
      %jit3A_331 = arith.constant 9 : i32
      %broadcast_in_dim3A_332 = vector.broadcast %jit3A_331 : i32 to vector<16xi32>
      %select_n3A_333 = arith.select %lt3A_329, %broadcast_in_dim3A_332, %select_n3A_326 : vector<16xi1>, vector<16xi32>
      %reduce_min3A = arith.constant true
      %reduce_min3A_334 = vector.broadcast %reduce_min3A : i1 to vector<16xi1>
      %reduce_min3A_335 = tpu.scan <min>, %select_n3A_330 masked %reduce_min3A_334 : vector<16xf32>, vector<16xi1> -> vector<16xf32>
      %reduce_min3A_336 = vector.extract %reduce_min3A_335[15] : f32 from vector<16xf32>
      %eq3A_337 = vector.broadcast %reduce_min3A_336 : f32 to vector<16xf32>
      %eq3A_338 = arith.cmpf oeq, %select_n3A_330, %eq3A_337 : vector<16xf32>
      %mul3A_339 = arith.constant 16 : i32
      %mul3A_340 = vector.broadcast %mul3A_339 : i32 to vector<16xi32>
      %mul3A_341 = arith.muli %select_n3A_333, %mul3A_340 : vector<16xi32>
      %add3A_342 = arith.addi %mul3A_341, %iota3A : vector<16xi32>
      %jit3A_343 = arith.constant 10000 : i32
      %broadcast_in_dim3A_344 = vector.broadcast %jit3A_343 : i32 to vector<16xi32>
      %select_n3A_345 = arith.select %eq3A_338, %add3A_342, %broadcast_in_dim3A_344 : vector<16xi1>, vector<16xi32>
      %reduce_min3A_346 = arith.constant true
      %reduce_min3A_347 = vector.broadcast %reduce_min3A_346 : i1 to vector<16xi1>
      %reduce_min3A_348 = arith.constant -2147483648 : i32
      %reduce_min3A_349 = vector.broadcast %reduce_min3A_348 : i32 to vector<16xi32>
      %reduce_min3A_350 = arith.xori %select_n3A_345, %reduce_min3A_349 : vector<16xi32>
      %reduce_min3A_351 = tpu.scan <min>, %reduce_min3A_350 masked %reduce_min3A_347 : vector<16xi32>, vector<16xi1> -> vector<16xi32>
      %reduce_min3A_352 = arith.xori %reduce_min3A_351, %reduce_min3A_349 : vector<16xi32>
      %reduce_min3A_353 = vector.extract %reduce_min3A_352[15] : i32 from vector<16xi32>
      %get3A_354 = arith.index_cast %reduce_min3A_353 : i32 to index
      %get3A_355 = arith.constant 0 : index
      %get3A_356 = tpu.vector_load %arg5[%get3A_354, %get3A_355] {strides = array<i32>} : memref<129x16xi32, #tpu.memory_space<vmem>>, vector<16xi32>,
      %get3A_357 = arith.index_cast %reduce_min3A_353 : i32 to index
      %get3A_358 = arith.constant 0 : index
      %get3A_359 = tpu.vector_load %arg6[%get3A_357, %get3A_358] {strides = array<i32>} : memref<129x16xf32, #tpu.memory_space<vmem>>, vector<16xf32>,
      %add3A_360 = vector.broadcast %reduce_min3A_336 : f32 to vector<16xf32>
      %add3A_361 = arith.addf %add3A_360, %get3A_359 : vector<16xf32>
      %gather3A = tpu.vector_load_idx %arg7[%get3A_356] : memref<160xf32, #tpu.memory_space<vmem>>[vector<16xi32>], vector<16xf32>,
      %min3A = arith.minimumf %gather3A, %add3A_361 : vector<16xf32>
      tpu.vector_store_idx %arg7[%get3A_356], %min3A : memref<160xf32, #tpu.memory_space<vmem>>[vector<16xi32>], vector<16xf32>,
      %gather3A_362 = tpu.vector_load_idx %arg8[%get3A_356] : memref<160xf32, #tpu.memory_space<vmem>>[vector<16xi32>], vector<16xf32>,
      %add3A_363 = arith.addf %min3A, %gather3A_362 : vector<16xf32>
      tpu.vector_store_idx %arg9[%get3A_356], %add3A_363 : memref<160xf32, #tpu.memory_space<vmem>>[vector<16xi32>], vector<16xf32>,
      %broadcast_in_dim3A_364 = arith.constant 0 : i32
      %broadcast_in_dim3A_365 = vector.broadcast %broadcast_in_dim3A_364 : i32 to vector<16xi32>
      %add3A_366 = vector.broadcast %reduce_min3A_353 : i32 to vector<16xi32>
      %add3A_367 = arith.addi %broadcast_in_dim3A_365, %add3A_366 : vector<16xi32>
      %eq3A_368 = arith.constant 0 : i32
      %eq3A_369 = vector.broadcast %eq3A_368 : i32 to vector<16xi32>
      %eq3A_370 = arith.cmpi eq, %iota3A, %eq3A_369 : vector<16xi32>
      tpu.vector_store_idx %arg8[%add3A_367], %broadcast_in_dim3A_1 masked %eq3A_370 : memref<160xf32, #tpu.memory_space<vmem>>[vector<16xi32>], vector<16xf32>, vector<16xi1>
      tpu.vector_store_idx %arg9[%add3A_367], %broadcast_in_dim3A_1 masked %eq3A_370 : memref<160xf32, #tpu.memory_space<vmem>>[vector<16xi32>], vector<16xf32>, vector<16xi1>
    }
    %while3A_266 = arith.constant 1 : i32
    scf.for %while3A_267 = %while3A_264 to %while3A_260 step %while3A_266  : i32 {
      %get3A = arith.constant 0 : index
      %get3A_268 = tpu.vector_load %arg9[%get3A] {strides = array<i32>} : memref<160xf32, #tpu.memory_space<vmem>>, vector<16xf32>,
      %broadcast_in_dim3A_269 = arith.constant 0 : i32
      %broadcast_in_dim3A_270 = vector.broadcast %broadcast_in_dim3A_269 : i32 to vector<16xi32>
      %get3A_271 = arith.constant 16 : index
      %get3A_272 = tpu.vector_load %arg9[%get3A_271] {strides = array<i32>} : memref<160xf32, #tpu.memory_space<vmem>>, vector<16xf32>,
      %lt3A_273 = arith.cmpf olt, %get3A_272, %get3A_268 : vector<16xf32>
      %select_n3A_274 = arith.select %lt3A_273, %get3A_272, %get3A_268 : vector<16xi1>, vector<16xf32>
      %jit3A_275 = arith.constant 1 : i32
      %broadcast_in_dim3A_276 = vector.broadcast %jit3A_275 : i32 to vector<16xi32>
      %select_n3A_277 = arith.select %lt3A_273, %broadcast_in_dim3A_276, %broadcast_in_dim3A_270 : vector<16xi1>, vector<16xi32>
      %get3A_278 = arith.constant 32 : index
      %get3A_279 = tpu.vector_load %arg9[%get3A_278] {strides = array<i32>} : memref<160xf32, #tpu.memory_space<vmem>>, vector<16xf32>,
      %lt3A_280 = arith.cmpf olt, %get3A_279, %select_n3A_274 : vector<16xf32>
      %select_n3A_281 = arith.select %lt3A_280, %get3A_279, %select_n3A_274 : vector<16xi1>, vector<16xf32>
      %jit3A_282 = arith.constant 2 : i32
      %broadcast_in_dim3A_283 = vector.broadcast %jit3A_282 : i32 to vector<16xi32>
      %select_n3A_284 = arith.select %lt3A_280, %broadcast_in_dim3A_283, %select_n3A_277 : vector<16xi1>, vector<16xi32>
      %get3A_285 = arith.constant 48 : index
      %get3A_286 = tpu.vector_load %arg9[%get3A_285] {strides = array<i32>} : memref<160xf32, #tpu.memory_space<vmem>>, vector<16xf32>,
      %lt3A_287 = arith.cmpf olt, %get3A_286, %select_n3A_281 : vector<16xf32>
      %select_n3A_288 = arith.select %lt3A_287, %get3A_286, %select_n3A_281 : vector<16xi1>, vector<16xf32>
      %jit3A_289 = arith.constant 3 : i32
      %broadcast_in_dim3A_290 = vector.broadcast %jit3A_289 : i32 to vector<16xi32>
      %select_n3A_291 = arith.select %lt3A_287, %broadcast_in_dim3A_290, %select_n3A_284 : vector<16xi1>, vector<16xi32>
      %get3A_292 = arith.constant 64 : index
      %get3A_293 = tpu.vector_load %arg9[%get3A_292] {strides = array<i32>} : memref<160xf32, #tpu.memory_space<vmem>>, vector<16xf32>,
      %lt3A_294 = arith.cmpf olt, %get3A_293, %select_n3A_288 : vector<16xf32>
      %select_n3A_295 = arith.select %lt3A_294, %get3A_293, %select_n3A_288 : vector<16xi1>, vector<16xf32>
      %jit3A_296 = arith.constant 4 : i32
      %broadcast_in_dim3A_297 = vector.broadcast %jit3A_296 : i32 to vector<16xi32>
      %select_n3A_298 = arith.select %lt3A_294, %broadcast_in_dim3A_297, %select_n3A_291 : vector<16xi1>, vector<16xi32>
      %get3A_299 = arith.constant 80 : index
      %get3A_300 = tpu.vector_load %arg9[%get3A_299] {strides = array<i32>} : memref<160xf32, #tpu.memory_space<vmem>>, vector<16xf32>,
      %lt3A_301 = arith.cmpf olt, %get3A_300, %select_n3A_295 : vector<16xf32>
      %select_n3A_302 = arith.select %lt3A_301, %get3A_300, %select_n3A_295 : vector<16xi1>, vector<16xf32>
      %jit3A_303 = arith.constant 5 : i32
      %broadcast_in_dim3A_304 = vector.broadcast %jit3A_303 : i32 to vector<16xi32>
      %select_n3A_305 = arith.select %lt3A_301, %broadcast_in_dim3A_304, %select_n3A_298 : vector<16xi1>, vector<16xi32>
      %get3A_306 = arith.constant 96 : index
      %get3A_307 = tpu.vector_load %arg9[%get3A_306] {strides = array<i32>} : memref<160xf32, #tpu.memory_space<vmem>>, vector<16xf32>,
      %lt3A_308 = arith.cmpf olt, %get3A_307, %select_n3A_302 : vector<16xf32>
      %select_n3A_309 = arith.select %lt3A_308, %get3A_307, %select_n3A_302 : vector<16xi1>, vector<16xf32>
      %jit3A_310 = arith.constant 6 : i32
      %broadcast_in_dim3A_311 = vector.broadcast %jit3A_310 : i32 to vector<16xi32>
      %select_n3A_312 = arith.select %lt3A_308, %broadcast_in_dim3A_311, %select_n3A_305 : vector<16xi1>, vector<16xi32>
      %get3A_313 = arith.constant 112 : index
      %get3A_314 = tpu.vector_load %arg9[%get3A_313] {strides = array<i32>} : memref<160xf32, #tpu.memory_space<vmem>>, vector<16xf32>,
      %lt3A_315 = arith.cmpf olt, %get3A_314, %select_n3A_309 : vector<16xf32>
      %select_n3A_316 = arith.select %lt3A_315, %get3A_314, %select_n3A_309 : vector<16xi1>, vector<16xf32>
      %jit3A_317 = arith.constant 7 : i32
      %broadcast_in_dim3A_318 = vector.broadcast %jit3A_317 : i32 to vector<16xi32>
      %select_n3A_319 = arith.select %lt3A_315, %broadcast_in_dim3A_318, %select_n3A_312 : vector<16xi1>, vector<16xi32>
      %get3A_320 = arith.constant 128 : index
      %get3A_321 = tpu.vector_load %arg9[%get3A_320] {strides = array<i32>} : memref<160xf32, #tpu.memory_space<vmem>>, vector<16xf32>,
      %lt3A_322 = arith.cmpf olt, %get3A_321, %select_n3A_316 : vector<16xf32>
      %select_n3A_323 = arith.select %lt3A_322, %get3A_321, %select_n3A_316 : vector<16xi1>, vector<16xf32>
      %jit3A_324 = arith.constant 8 : i32
      %broadcast_in_dim3A_325 = vector.broadcast %jit3A_324 : i32 to vector<16xi32>
      %select_n3A_326 = arith.select %lt3A_322, %broadcast_in_dim3A_325, %select_n3A_319 : vector<16xi1>, vector<16xi32>
      %get3A_327 = arith.constant 144 : index
      %get3A_328 = tpu.vector_load %arg9[%get3A_327] {strides = array<i32>} : memref<160xf32, #tpu.memory_space<vmem>>, vector<16xf32>,
      %lt3A_329 = arith.cmpf olt, %get3A_328, %select_n3A_323 : vector<16xf32>
      %select_n3A_330 = arith.select %lt3A_329, %get3A_328, %select_n3A_323 : vector<16xi1>, vector<16xf32>
      %jit3A_331 = arith.constant 9 : i32
      %broadcast_in_dim3A_332 = vector.broadcast %jit3A_331 : i32 to vector<16xi32>
      %select_n3A_333 = arith.select %lt3A_329, %broadcast_in_dim3A_332, %select_n3A_326 : vector<16xi1>, vector<16xi32>
      %reduce_min3A = arith.constant true
      %reduce_min3A_334 = vector.broadcast %reduce_min3A : i1 to vector<16xi1>
      %reduce_min3A_335 = tpu.scan <min>, %select_n3A_330 masked %reduce_min3A_334 : vector<16xf32>, vector<16xi1> -> vector<16xf32>
      %reduce_min3A_336 = vector.extract %reduce_min3A_335[15] : f32 from vector<16xf32>
      %eq3A_337 = vector.broadcast %reduce_min3A_336 : f32 to vector<16xf32>
      %eq3A_338 = arith.cmpf oeq, %select_n3A_330, %eq3A_337 : vector<16xf32>
      %mul3A_339 = arith.constant 16 : i32
      %mul3A_340 = vector.broadcast %mul3A_339 : i32 to vector<16xi32>
      %mul3A_341 = arith.muli %select_n3A_333, %mul3A_340 : vector<16xi32>
      %add3A_342 = arith.addi %mul3A_341, %iota3A : vector<16xi32>
      %jit3A_343 = arith.constant 10000 : i32
      %broadcast_in_dim3A_344 = vector.broadcast %jit3A_343 : i32 to vector<16xi32>
      %select_n3A_345 = arith.select %eq3A_338, %add3A_342, %broadcast_in_dim3A_344 : vector<16xi1>, vector<16xi32>
      %reduce_min3A_346 = arith.constant true
      %reduce_min3A_347 = vector.broadcast %reduce_min3A_346 : i1 to vector<16xi1>
      %reduce_min3A_348 = arith.constant -2147483648 : i32
      %reduce_min3A_349 = vector.broadcast %reduce_min3A_348 : i32 to vector<16xi32>
      %reduce_min3A_350 = arith.xori %select_n3A_345, %reduce_min3A_349 : vector<16xi32>
      %reduce_min3A_351 = tpu.scan <min>, %reduce_min3A_350 masked %reduce_min3A_347 : vector<16xi32>, vector<16xi1> -> vector<16xi32>
      %reduce_min3A_352 = arith.xori %reduce_min3A_351, %reduce_min3A_349 : vector<16xi32>
      %reduce_min3A_353 = vector.extract %reduce_min3A_352[15] : i32 from vector<16xi32>
      %get3A_354 = arith.index_cast %reduce_min3A_353 : i32 to index
      %get3A_355 = arith.constant 0 : index
      %get3A_356 = tpu.vector_load %arg5[%get3A_354, %get3A_355] {strides = array<i32>} : memref<129x16xi32, #tpu.memory_space<vmem>>, vector<16xi32>,
      %get3A_357 = arith.index_cast %reduce_min3A_353 : i32 to index
      %get3A_358 = arith.constant 0 : index
      %get3A_359 = tpu.vector_load %arg6[%get3A_357, %get3A_358] {strides = array<i32>} : memref<129x16xf32, #tpu.memory_space<vmem>>, vector<16xf32>,
      %add3A_360 = vector.broadcast %reduce_min3A_336 : f32 to vector<16xf32>
      %add3A_361 = arith.addf %add3A_360, %get3A_359 : vector<16xf32>
      %gather3A = tpu.vector_load_idx %arg7[%get3A_356] : memref<160xf32, #tpu.memory_space<vmem>>[vector<16xi32>], vector<16xf32>,
      %min3A = arith.minimumf %gather3A, %add3A_361 : vector<16xf32>
      tpu.vector_store_idx %arg7[%get3A_356], %min3A : memref<160xf32, #tpu.memory_space<vmem>>[vector<16xi32>], vector<16xf32>,
      %gather3A_362 = tpu.vector_load_idx %arg8[%get3A_356] : memref<160xf32, #tpu.memory_space<vmem>>[vector<16xi32>], vector<16xf32>,
      %add3A_363 = arith.addf %min3A, %gather3A_362 : vector<16xf32>
      tpu.vector_store_idx %arg9[%get3A_356], %add3A_363 : memref<160xf32, #tpu.memory_space<vmem>>[vector<16xi32>], vector<16xf32>,
      %broadcast_in_dim3A_364 = arith.constant 0 : i32
      %broadcast_in_dim3A_365 = vector.broadcast %broadcast_in_dim3A_364 : i32 to vector<16xi32>
      %add3A_366 = vector.broadcast %reduce_min3A_353 : i32 to vector<16xi32>
      %add3A_367 = arith.addi %broadcast_in_dim3A_365, %add3A_366 : vector<16xi32>
      %eq3A_368 = arith.constant 0 : i32
      %eq3A_369 = vector.broadcast %eq3A_368 : i32 to vector<16xi32>
      %eq3A_370 = arith.cmpi eq, %iota3A, %eq3A_369 : vector<16xi32>
      tpu.vector_store_idx %arg8[%add3A_367], %broadcast_in_dim3A_1 masked %eq3A_370 : memref<160xf32, #tpu.memory_space<vmem>>[vector<16xi32>], vector<16xf32>, vector<16xi1>
      tpu.vector_store_idx %arg9[%add3A_367], %broadcast_in_dim3A_1 masked %eq3A_370 : memref<160xf32, #tpu.memory_space<vmem>>[vector<16xi32>], vector<16xf32>, vector<16xi1>
    }
    "tpu.region"() ({
      %run_scoped3A = tpu.sem_alloc : memref<!tpu.dma_semaphore, #tpu.memory_space<semaphore_mem>>
      %dma_start3A = arith.constant 0 : i32
      %dma_start3A_267 = tpu.memref_slice %arg4[%add3A, %dma_start3A] : memref<32x160xf32, #tpu.memory_space<hbm>> -> memref<1x160xf32, #tpu.memory_space<hbm>>
      %dma_start3A_268 = tpu.memref_squeeze %dma_start3A_267 : memref<1x160xf32, #tpu.memory_space<hbm>> -> memref<160xf32, #tpu.memory_space<hbm>>
      %dma_start3A_269 = arith.constant 0 : i32
      %dma_start3A_270 = tpu.memref_slice %arg4[%add3A, %dma_start3A_269] : memref<32x160xf32, #tpu.memory_space<hbm>> -> memref<1x160xf32, #tpu.memory_space<hbm>>
      %dma_start3A_271 = tpu.memref_squeeze %dma_start3A_270 : memref<1x160xf32, #tpu.memory_space<hbm>> -> memref<160xf32, #tpu.memory_space<hbm>>
      tpu.enqueue_dma source(%arg7 : memref<160xf32, #tpu.memory_space<vmem>>) target(%dma_start3A_271 : memref<160xf32, #tpu.memory_space<hbm>>) target_semaphore(%run_scoped3A : memref<!tpu.dma_semaphore, #tpu.memory_space<semaphore_mem>>)
      %dma_wait3A = arith.constant 0 : i32
      %dma_wait3A_272 = tpu.memref_slice %arg4[%add3A, %dma_wait3A] : memref<32x160xf32, #tpu.memory_space<hbm>> -> memref<1x160xf32, #tpu.memory_space<hbm>>
      %dma_wait3A_273 = tpu.memref_squeeze %dma_wait3A_272 : memref<1x160xf32, #tpu.memory_space<hbm>> -> memref<160xf32, #tpu.memory_space<hbm>>
      %dma_wait3A_274 = arith.constant 0 : i32
      %dma_wait3A_275 = tpu.memref_slice %arg4[%add3A, %dma_wait3A_274] : memref<32x160xf32, #tpu.memory_space<hbm>> -> memref<1x160xf32, #tpu.memory_space<hbm>>
      %dma_wait3A_276 = tpu.memref_squeeze %dma_wait3A_275 : memref<1x160xf32, #tpu.memory_space<hbm>> -> memref<160xf32, #tpu.memory_space<hbm>>
      tpu.wait_dma2 semaphore(%run_scoped3A : memref<!tpu.dma_semaphore, #tpu.memory_space<semaphore_mem>>) src(%arg7 : memref<160xf32, #tpu.memory_space<vmem>>) dst(%dma_wait3A_276 : memref<160xf32, #tpu.memory_space<hbm>>)
      tpu.yield
    }) : () -> ()
    return
  }
}

module attributes {stable_mosaic.version = 14 : i64} {
  func.func @_encode_graph_body(%arg0: i32, %arg1: memref<32x12544xf32, #tpu.memory_space<vmem>>, %arg2: memref<32x12544xf32, #tpu.memory_space<vmem>>, %arg3: memref<12544x128xf32, #tpu.memory_space<vmem>>, %arg4: memref<1x128xf32, #tpu.memory_space<vmem>>, %arg5: memref<128x128xf32, #tpu.memory_space<vmem>>, %arg6: memref<32x129x16xi32, #tpu.memory_space<any>>, %arg7: memref<32x129x16xf32, #tpu.memory_space<any>>, %arg8: memref<32x128xf32, #tpu.memory_space<vmem>>, %arg9: memref<32x1xf32, #tpu.memory_space<vmem>>, %arg10: memref<64x128xf32, #tpu.memory_space<vmem>>, %arg11: memref<32x129x16xi32, #tpu.memory_space<vmem>>, %arg12: memref<32x129x16xf32, #tpu.memory_space<vmem>>, %arg13: memref<!tpu.dma_semaphore, #tpu.memory_space<semaphore_mem>>, %arg14: memref<!tpu.dma_semaphore, #tpu.memory_space<semaphore_mem>>) attributes {dimension_semantics = [#tpu.dimension_semantics<arbitrary>], iteration_bounds = array<i64: 12>, scalar_prefetch = 0 : i64, scratch_operands = 5 : i64, tpu.core_type = #tpu.core_type<tc>, window_params = [{transform_indices = @transform_0, window_bounds = array<i64: 32, 12544>}, {transform_indices = @transform_1, window_bounds = array<i64: 32, 12544>}, {transform_indices = @transform_2, window_bounds = array<i64: 12544, 128>}, {transform_indices = @transform_3, window_bounds = array<i64: 1, 128>}, {transform_indices = @transform_4, window_bounds = array<i64: 128, 128>}, {}, {}, {transform_indices = @transform_7, window_bounds = array<i64: 32, 128>}, {transform_indices = @transform_8, window_bounds = array<i64: 32, 1>}]} {
    %eq3A = arith.constant 0 : i32
    %eq3A_0 = arith.cmpi eq, %arg0, %eq3A : i32
    %convert_element_type3A = arith.extui %eq3A_0 : i1 to i32
    %cond3A = arith.constant 0 : i32
    %cond3A_1 = arith.cmpi ne, %convert_element_type3A, %cond3A : i32
    scf.if %cond3A_1 {
      %broadcast_in_dim3A = arith.constant 0.000000e+00 : f32
      %broadcast_in_dim3A_30 = vector.broadcast %broadcast_in_dim3A : f32 to vector<64x128xf32>
      %swap3A_31 = arith.constant 0 : index
      %swap3A_32 = arith.constant 0 : index
      %swap3A_33 = vector.load %arg10[%swap3A_31, %swap3A_32] : memref<64x128xf32, #tpu.memory_space<vmem>>, vector<64x128xf32>
      tpu.vector_store %arg10[%swap3A_31, %swap3A_32], %broadcast_in_dim3A_30 {strides = array<i32>} : memref<64x128xf32, #tpu.memory_space<vmem>>, vector<64x128xf32>,
    } else {
    }
    %get3A = arith.constant 0 : index
    %get3A_2 = arith.constant 0 : index
    %get3A_3 = vector.load %arg3[%get3A, %get3A_2] : memref<12544x128xf32, #tpu.memory_space<vmem>>, vector<12544x128xf32>
    %get3A_4 = arith.constant 0 : index
    %get3A_5 = arith.constant 0 : index
    %get3A_6 = vector.load %arg10[%get3A_4, %get3A_5] : memref<64x128xf32, #tpu.memory_space<vmem>>, vector<32x128xf32>
    %get3A_7 = arith.constant 0 : index
    %get3A_8 = arith.constant 0 : index
    %get3A_9 = vector.load %arg1[%get3A_7, %get3A_8] : memref<32x12544xf32, #tpu.memory_space<vmem>>, vector<32x12544xf32>
    %dot_general3A = arith.constant dense<0.000000e+00> : vector<32x128xf32>
    %dot_general3A_10 = tpu.matmul %get3A_9, %get3A_3, %dot_general3A {dimension_numbers = #tpu.dot_dimension_numbers<[1], [0], [0], [1], [0, 0, 1, 1], [], []>, transpose_lhs_hint = false} : vector<32x12544xf32>, vector<12544x128xf32>, vector<32x128xf32> -> vector<32x128xf32>
    %add3A = arith.addf %get3A_6, %dot_general3A_10 : vector<32x128xf32>
    %swap3A = arith.constant 0 : index
    %swap3A_11 = arith.constant 0 : index
    %swap3A_12 = vector.load %arg10[%swap3A, %swap3A_11] : memref<64x128xf32, #tpu.memory_space<vmem>>, vector<32x128xf32>
    tpu.vector_store %arg10[%swap3A, %swap3A_11], %add3A {strides = array<i32>} : memref<64x128xf32, #tpu.memory_space<vmem>>, vector<32x128xf32>,
    %get3A_13 = arith.constant 32 : index
    %get3A_14 = arith.constant 0 : index
    %get3A_15 = vector.load %arg10[%get3A_13, %get3A_14] : memref<64x128xf32, #tpu.memory_space<vmem>>, vector<32x128xf32>
    %get3A_16 = arith.constant 0 : index
    %get3A_17 = arith.constant 0 : index
    %get3A_18 = vector.load %arg2[%get3A_16, %get3A_17] : memref<32x12544xf32, #tpu.memory_space<vmem>>, vector<32x12544xf32>
    %dot_general3A_19 = arith.constant dense<0.000000e+00> : vector<32x128xf32>
    %dot_general3A_20 = tpu.matmul %get3A_18, %get3A_3, %dot_general3A_19 {dimension_numbers = #tpu.dot_dimension_numbers<[1], [0], [0], [1], [0, 0, 1, 1], [], []>, transpose_lhs_hint = false} : vector<32x12544xf32>, vector<12544x128xf32>, vector<32x128xf32> -> vector<32x128xf32>
    %add3A_21 = arith.addf %get3A_15, %dot_general3A_20 : vector<32x128xf32>
    %swap3A_22 = arith.constant 32 : index
    %swap3A_23 = arith.constant 0 : index
    %swap3A_24 = vector.load %arg10[%swap3A_22, %swap3A_23] : memref<64x128xf32, #tpu.memory_space<vmem>>, vector<32x128xf32>
    tpu.vector_store %arg10[%swap3A_22, %swap3A_23], %add3A_21 {strides = array<i32>} : memref<64x128xf32, #tpu.memory_space<vmem>>, vector<32x128xf32>,
    %eq3A_25 = arith.constant 11 : i32
    %eq3A_26 = arith.cmpi eq, %arg0, %eq3A_25 : i32
    %convert_element_type3A_27 = arith.extui %eq3A_26 : i1 to i32
    %cond3A_28 = arith.constant 0 : i32
    %cond3A_29 = arith.cmpi ne, %convert_element_type3A_27, %cond3A_28 : i32
    scf.if %cond3A_29 {
      %get3A_30 = arith.constant 0 : index
      %get3A_31 = arith.constant 0 : index
      %get3A_32 = vector.load %arg10[%get3A_30, %get3A_31] : memref<64x128xf32, #tpu.memory_space<vmem>>, vector<64x128xf32>
      %get3A_33 = arith.constant 0 : index
      %get3A_34 = arith.constant 0 : index
      %get3A_35 = vector.load %arg4[%get3A_33, %get3A_34] : memref<1x128xf32, #tpu.memory_space<vmem>>, vector<1x128xf32>
      %add3A_36 = vector.broadcast %get3A_35 : vector<1x128xf32> to vector<64x128xf32>
      %add3A_37 = arith.addf %get3A_32, %add3A_36 : vector<64x128xf32>
      %mul3A = arith.mulf %add3A_37, %add3A_37 : vector<64x128xf32>
      %reduce_sum3A = arith.constant dense<0.000000e+00> : vector<64xf32>
      %reduce_sum3A_38 = vector.multi_reduction <add>, %mul3A, %reduce_sum3A [1] : vector<64x128xf32> to vector<64xf32>
      %broadcast_in_dim3A = vector.shape_cast %reduce_sum3A_38 : vector<64xf32> to vector<64x1xf32>
      %sqrt3A = math.sqrt %broadcast_in_dim3A : vector<64x1xf32>
      %max3A = arith.constant 9.99999996E-13 : f32
      %max3A_39 = vector.broadcast %max3A : f32 to vector<64x1xf32>
      %max3A_40 = arith.maximumf %sqrt3A, %max3A_39 : vector<64x1xf32>
      %div3A = vector.broadcast %max3A_40 : vector<64x1xf32> to vector<64x128xf32>
      %div3A_41 = arith.divf %add3A_37, %div3A : vector<64x128xf32>
      %get3A_42 = arith.constant 0 : index
      %get3A_43 = arith.constant 0 : index
      %get3A_44 = vector.load %arg5[%get3A_42, %get3A_43] : memref<128x128xf32, #tpu.memory_space<vmem>>, vector<128x128xf32>
      %slice3A = vector.extract_strided_slice %div3A_41 {offsets = [0, 0], sizes = [32, 128], strides = [1, 1]} : vector<64x128xf32> to vector<32x128xf32>
      %slice3A_45 = vector.extract_strided_slice %div3A_41 {offsets = [32, 0], sizes = [32, 128], strides = [1, 1]} : vector<64x128xf32> to vector<32x128xf32>
      %transpose3A = tpu.transpose %get3A_44, [1, 0] : vector<128x128xf32> -> vector<128x128xf32>
      %broadcast_in_dim3A_46 = vector.shape_cast %transpose3A : vector<128x128xf32> to vector<128x1x128xf32>
      %broadcast_in_dim3A_47 = vector.shape_cast %transpose3A : vector<128x128xf32> to vector<1x128x128xf32>
      %sub3A = vector.broadcast %broadcast_in_dim3A_46 : vector<128x1x128xf32> to vector<128x128x128xf32>
      %sub3A_48 = vector.broadcast %broadcast_in_dim3A_47 : vector<1x128x128xf32> to vector<128x128x128xf32>
      %sub3A_49 = arith.subf %sub3A, %sub3A_48 : vector<128x128x128xf32>
      %integer_pow3A = arith.mulf %sub3A_49, %sub3A_49 : vector<128x128x128xf32>
      %reduce_sum3A_50 = arith.constant dense<0.000000e+00> : vector<128x128xf32>
      %reduce_sum3A_51 = vector.multi_reduction <add>, %integer_pow3A, %reduce_sum3A_50 [2] : vector<128x128x128xf32> to vector<128x128xf32>
      %broadcast_in_dim3A_52 = vector.shape_cast %slice3A : vector<32x128xf32> to vector<32x1x128xf32>
      %broadcast_in_dim3A_53 = vector.shape_cast %transpose3A : vector<128x128xf32> to vector<1x128x128xf32>
      %sub3A_54 = vector.broadcast %broadcast_in_dim3A_52 : vector<32x1x128xf32> to vector<32x128x128xf32>
      %sub3A_55 = vector.broadcast %broadcast_in_dim3A_53 : vector<1x128x128xf32> to vector<32x128x128xf32>
      %sub3A_56 = arith.subf %sub3A_54, %sub3A_55 : vector<32x128x128xf32>
      %integer_pow3A_57 = arith.mulf %sub3A_56, %sub3A_56 : vector<32x128x128xf32>
      %reduce_sum3A_58 = arith.constant dense<0.000000e+00> : vector<32x128xf32>
      %reduce_sum3A_59 = vector.multi_reduction <add>, %integer_pow3A_57, %reduce_sum3A_58 [2] : vector<32x128x128xf32> to vector<32x128xf32>
      %sqrt3A_60 = math.sqrt %reduce_sum3A_51 : vector<128x128xf32>
      %sqrt3A_61 = math.sqrt %reduce_sum3A_59 : vector<32x128xf32>
      %broadcast_in_dim3A_62 = arith.constant -1.000000e+30 : f32
      %broadcast_in_dim3A_63 = vector.broadcast %broadcast_in_dim3A_62 : f32 to vector<128x1xf32>
      %broadcast_in_dim3A_64 = arith.constant -1.000000e+30 : f32
      %broadcast_in_dim3A_65 = vector.broadcast %broadcast_in_dim3A_64 : f32 to vector<128x15xf32>
      %concatenate3A = tpu.concatenate %broadcast_in_dim3A_63, %sqrt3A_60, %broadcast_in_dim3A_65 in 1 : vector<128x1xf32>, vector<128x128xf32>, vector<128x15xf32> -> vector<128x144xf32>
      %iota3A = tpu.iota {dimensions = array<i32: 1>} : vector<128x144xi32>
      %reduce_max3A = arith.constant dense<0xFF800000> : vector<128xf32>
      %reduce_max3A_66 = vector.multi_reduction <maximumf>, %concatenate3A, %reduce_max3A [1] : vector<128x144xf32> to vector<128xf32>
      %broadcast_in_dim3A_67 = vector.shape_cast %reduce_max3A_66 : vector<128xf32> to vector<128x1xf32>
      %eq3A_68 = vector.broadcast %broadcast_in_dim3A_67 : vector<128x1xf32> to vector<128x144xf32>
      %eq3A_69 = arith.cmpf oeq, %concatenate3A, %eq3A_68 : vector<128x144xf32>
      %jit3A = arith.constant -1 : i32
      %broadcast_in_dim3A_70 = vector.broadcast %jit3A : i32 to vector<128x144xi32>
      %select_n3A = arith.select %eq3A_69, %iota3A, %broadcast_in_dim3A_70 : vector<128x144xi1>, vector<128x144xi32>
      %reduce_max3A_71 = arith.constant dense<-2147483648> : vector<128xi32>
      %reduce_max3A_72 = vector.multi_reduction <maxsi>, %select_n3A, %reduce_max3A_71 [1] : vector<128x144xi32> to vector<128xi32>
      %broadcast_in_dim3A_73 = vector.shape_cast %reduce_max3A_72 : vector<128xi32> to vector<128x1xi32>
      %eq3A_74 = vector.broadcast %broadcast_in_dim3A_73 : vector<128x1xi32> to vector<128x144xi32>
      %eq3A_75 = arith.cmpi eq, %iota3A, %eq3A_74 : vector<128x144xi32>
      %jit3A_76 = arith.constant -3.000000e+38 : f32
      %broadcast_in_dim3A_77 = vector.broadcast %jit3A_76 : f32 to vector<128x144xf32>
      %select_n3A_78 = arith.select %eq3A_75, %broadcast_in_dim3A_77, %concatenate3A : vector<128x144xi1>, vector<128x144xf32>
      %reduce_max3A_79 = arith.constant dense<0xFF800000> : vector<128xf32>
      %reduce_max3A_80 = vector.multi_reduction <maximumf>, %select_n3A_78, %reduce_max3A_79 [1] : vector<128x144xf32> to vector<128xf32>
      %broadcast_in_dim3A_81 = vector.shape_cast %reduce_max3A_80 : vector<128xf32> to vector<128x1xf32>
      %eq3A_82 = vector.broadcast %broadcast_in_dim3A_81 : vector<128x1xf32> to vector<128x144xf32>
      %eq3A_83 = arith.cmpf oeq, %select_n3A_78, %eq3A_82 : vector<128x144xf32>
      %jit3A_84 = arith.constant -1 : i32
      %broadcast_in_dim3A_85 = vector.broadcast %jit3A_84 : i32 to vector<128x144xi32>
      %select_n3A_86 = arith.select %eq3A_83, %iota3A, %broadcast_in_dim3A_85 : vector<128x144xi1>, vector<128x144xi32>
      %reduce_max3A_87 = arith.constant dense<-2147483648> : vector<128xi32>
      %reduce_max3A_88 = vector.multi_reduction <maxsi>, %select_n3A_86, %reduce_max3A_87 [1] : vector<128x144xi32> to vector<128xi32>
      %broadcast_in_dim3A_89 = vector.shape_cast %reduce_max3A_88 : vector<128xi32> to vector<128x1xi32>
      %eq3A_90 = vector.broadcast %broadcast_in_dim3A_89 : vector<128x1xi32> to vector<128x144xi32>
      %eq3A_91 = arith.cmpi eq, %iota3A, %eq3A_90 : vector<128x144xi32>
      %jit3A_92 = arith.constant -3.000000e+38 : f32
      %broadcast_in_dim3A_93 = vector.broadcast %jit3A_92 : f32 to vector<128x144xf32>
      %select_n3A_94 = arith.select %eq3A_91, %broadcast_in_dim3A_93, %select_n3A_78 : vector<128x144xi1>, vector<128x144xf32>
      %reduce_max3A_95 = arith.constant dense<0xFF800000> : vector<128xf32>
      %reduce_max3A_96 = vector.multi_reduction <maximumf>, %select_n3A_94, %reduce_max3A_95 [1] : vector<128x144xf32> to vector<128xf32>
      %broadcast_in_dim3A_97 = vector.shape_cast %reduce_max3A_96 : vector<128xf32> to vector<128x1xf32>
      %eq3A_98 = vector.broadcast %broadcast_in_dim3A_97 : vector<128x1xf32> to vector<128x144xf32>
      %eq3A_99 = arith.cmpf oeq, %select_n3A_94, %eq3A_98 : vector<128x144xf32>
      %jit3A_100 = arith.constant -1 : i32
      %broadcast_in_dim3A_101 = vector.broadcast %jit3A_100 : i32 to vector<128x144xi32>
      %select_n3A_102 = arith.select %eq3A_99, %iota3A, %broadcast_in_dim3A_101 : vector<128x144xi1>, vector<128x144xi32>
      %reduce_max3A_103 = arith.constant dense<-2147483648> : vector<128xi32>
      %reduce_max3A_104 = vector.multi_reduction <maxsi>, %select_n3A_102, %reduce_max3A_103 [1] : vector<128x144xi32> to vector<128xi32>
      %broadcast_in_dim3A_105 = vector.shape_cast %reduce_max3A_104 : vector<128xi32> to vector<128x1xi32>
      %eq3A_106 = vector.broadcast %broadcast_in_dim3A_105 : vector<128x1xi32> to vector<128x144xi32>
      %eq3A_107 = arith.cmpi eq, %iota3A, %eq3A_106 : vector<128x144xi32>
      %jit3A_108 = arith.constant -3.000000e+38 : f32
      %broadcast_in_dim3A_109 = vector.broadcast %jit3A_108 : f32 to vector<128x144xf32>
      %select_n3A_110 = arith.select %eq3A_107, %broadcast_in_dim3A_109, %select_n3A_94 : vector<128x144xi1>, vector<128x144xf32>
      %reduce_max3A_111 = arith.constant dense<0xFF800000> : vector<128xf32>
      %reduce_max3A_112 = vector.multi_reduction <maximumf>, %select_n3A_110, %reduce_max3A_111 [1] : vector<128x144xf32> to vector<128xf32>
      %broadcast_in_dim3A_113 = vector.shape_cast %reduce_max3A_112 : vector<128xf32> to vector<128x1xf32>
      %eq3A_114 = vector.broadcast %broadcast_in_dim3A_113 : vector<128x1xf32> to vector<128x144xf32>
      %eq3A_115 = arith.cmpf oeq, %select_n3A_110, %eq3A_114 : vector<128x144xf32>
      %jit3A_116 = arith.constant -1 : i32
      %broadcast_in_dim3A_117 = vector.broadcast %jit3A_116 : i32 to vector<128x144xi32>
      %select_n3A_118 = arith.select %eq3A_115, %iota3A, %broadcast_in_dim3A_117 : vector<128x144xi1>, vector<128x144xi32>
      %reduce_max3A_119 = arith.constant dense<-2147483648> : vector<128xi32>
      %reduce_max3A_120 = vector.multi_reduction <maxsi>, %select_n3A_118, %reduce_max3A_119 [1] : vector<128x144xi32> to vector<128xi32>
      %broadcast_in_dim3A_121 = vector.shape_cast %reduce_max3A_120 : vector<128xi32> to vector<128x1xi32>
      %eq3A_122 = vector.broadcast %broadcast_in_dim3A_121 : vector<128x1xi32> to vector<128x144xi32>
      %eq3A_123 = arith.cmpi eq, %iota3A, %eq3A_122 : vector<128x144xi32>
      %jit3A_124 = arith.constant -3.000000e+38 : f32
      %broadcast_in_dim3A_125 = vector.broadcast %jit3A_124 : f32 to vector<128x144xf32>
      %select_n3A_126 = arith.select %eq3A_123, %broadcast_in_dim3A_125, %select_n3A_110 : vector<128x144xi1>, vector<128x144xf32>
      %reduce_max3A_127 = arith.constant dense<0xFF800000> : vector<128xf32>
      %reduce_max3A_128 = vector.multi_reduction <maximumf>, %select_n3A_126, %reduce_max3A_127 [1] : vector<128x144xf32> to vector<128xf32>
      %broadcast_in_dim3A_129 = vector.shape_cast %reduce_max3A_128 : vector<128xf32> to vector<128x1xf32>
      %eq3A_130 = vector.broadcast %broadcast_in_dim3A_129 : vector<128x1xf32> to vector<128x144xf32>
      %eq3A_131 = arith.cmpf oeq, %select_n3A_126, %eq3A_130 : vector<128x144xf32>
      %jit3A_132 = arith.constant -1 : i32
      %broadcast_in_dim3A_133 = vector.broadcast %jit3A_132 : i32 to vector<128x144xi32>
      %select_n3A_134 = arith.select %eq3A_131, %iota3A, %broadcast_in_dim3A_133 : vector<128x144xi1>, vector<128x144xi32>
      %reduce_max3A_135 = arith.constant dense<-2147483648> : vector<128xi32>
      %reduce_max3A_136 = vector.multi_reduction <maxsi>, %select_n3A_134, %reduce_max3A_135 [1] : vector<128x144xi32> to vector<128xi32>
      %broadcast_in_dim3A_137 = vector.shape_cast %reduce_max3A_136 : vector<128xi32> to vector<128x1xi32>
      %concatenate3A_138 = tpu.concatenate %broadcast_in_dim3A_73, %broadcast_in_dim3A_89, %broadcast_in_dim3A_105, %broadcast_in_dim3A_121, %broadcast_in_dim3A_137 in 1 : vector<128x1xi32>, vector<128x1xi32>, vector<128x1xi32>, vector<128x1xi32>, vector<128x1xi32> -> vector<128x5xi32>
      %concatenate3A_139 = tpu.concatenate %broadcast_in_dim3A_67, %broadcast_in_dim3A_81, %broadcast_in_dim3A_97, %broadcast_in_dim3A_113, %broadcast_in_dim3A_129 in 1 : vector<128x1xf32>, vector<128x1xf32>, vector<128x1xf32>, vector<128x1xf32>, vector<128x1xf32> -> vector<128x5xf32>
      %slice3A_140 = vector.extract_strided_slice %concatenate3A_139 {offsets = [0, 4], sizes = [128, 1], strides = [1, 1]} : vector<128x5xf32> to vector<128x1xf32>
      %squeeze3A = vector.shape_cast %slice3A_140 : vector<128x1xf32> to vector<128xf32>
      %broadcast_in_dim3A_141 = vector.shape_cast %squeeze3A : vector<128xf32> to vector<1x128xf32>
      %gt3A = vector.broadcast %broadcast_in_dim3A_141 : vector<1x128xf32> to vector<32x128xf32>
      %gt3A_142 = arith.cmpf ogt, %sqrt3A_61, %gt3A : vector<32x128xf32>
      %slice3A_143 = vector.extract_strided_slice %concatenate3A_138 {offsets = [0, 0], sizes = [128, 4], strides = [1, 1]} : vector<128x5xi32> to vector<128x4xi32>
      %broadcast_in_dim3A_144 = vector.shape_cast %slice3A_143 : vector<128x4xi32> to vector<1x128x4xi32>
      %broadcast_in_dim3A_145 = vector.shape_cast %broadcast_in_dim3A_144 : vector<1x128x4xi32> to vector<1x128x4xi32>
      %broadcast_in_dim3A_146 = vector.broadcast %broadcast_in_dim3A_145 : vector<1x128x4xi32> to vector<32x128x4xi32>
      %slice3A_147 = vector.extract_strided_slice %concatenate3A_139 {offsets = [0, 0], sizes = [128, 4], strides = [1, 1]} : vector<128x5xf32> to vector<128x4xf32>
      %broadcast_in_dim3A_148 = vector.shape_cast %slice3A_147 : vector<128x4xf32> to vector<1x128x4xf32>
      %broadcast_in_dim3A_149 = vector.shape_cast %broadcast_in_dim3A_148 : vector<1x128x4xf32> to vector<1x128x4xf32>
      %broadcast_in_dim3A_150 = vector.broadcast %broadcast_in_dim3A_149 : vector<1x128x4xf32> to vector<32x128x4xf32>
      %gt3A_151 = arith.constant 0.000000e+00 : f32
      %gt3A_152 = vector.broadcast %gt3A_151 : f32 to vector<32x128x4xf32>
      %gt3A_153 = arith.cmpf ogt, %broadcast_in_dim3A_150, %gt3A_152 : vector<32x128x4xf32>
      %jit3A_154 = arith.constant 1.000000e+30 : f32
      %broadcast_in_dim3A_155 = vector.broadcast %jit3A_154 : f32 to vector<32x128x4xf32>
      %select_n3A_156 = arith.select %gt3A_153, %broadcast_in_dim3A_150, %broadcast_in_dim3A_155 : vector<32x128x4xi1>, vector<32x128x4xf32>
      %slice3A_157 = vector.extract_strided_slice %concatenate3A_138 {offsets = [0, 4], sizes = [128, 1], strides = [1, 1]} : vector<128x5xi32> to vector<128x1xi32>
      %broadcast_in_dim3A_158 = vector.shape_cast %slice3A_157 : vector<128x1xi32> to vector<1x128x1xi32>
      %broadcast_in_dim3A_159 = vector.shape_cast %broadcast_in_dim3A_158 : vector<1x128x1xi32> to vector<1x128x1xi32>
      %broadcast_in_dim3A_160 = vector.broadcast %broadcast_in_dim3A_159 : vector<1x128x1xi32> to vector<32x128x1xi32>
      %slice3A_161 = vector.extract_strided_slice %concatenate3A_139 {offsets = [0, 4], sizes = [128, 1], strides = [1, 1]} : vector<128x5xf32> to vector<128x1xf32>
      %broadcast_in_dim3A_162 = vector.shape_cast %slice3A_161 : vector<128x1xf32> to vector<1x128x1xf32>
      %broadcast_in_dim3A_163 = vector.shape_cast %broadcast_in_dim3A_162 : vector<1x128x1xf32> to vector<1x128x1xf32>
      %broadcast_in_dim3A_164 = vector.broadcast %broadcast_in_dim3A_163 : vector<1x128x1xf32> to vector<32x128x1xf32>
      %not3A = arith.constant dense<true> : vector<32x128xi1>
      %not3A_165 = arith.xori %gt3A_142, %not3A : vector<32x128xi1>
      %broadcast_in_dim3A_166 = vector.shape_cast %not3A_165 : vector<32x128xi1> to vector<32x128x1xi1>
      %gt3A_167 = arith.constant 0.000000e+00 : f32
      %gt3A_168 = vector.broadcast %gt3A_167 : f32 to vector<32x128x1xf32>
      %gt3A_169 = arith.cmpf ogt, %broadcast_in_dim3A_164, %gt3A_168 : vector<32x128x1xf32>
      %and3A = arith.andi %broadcast_in_dim3A_166, %gt3A_169 : vector<32x128x1xi1>
      %jit3A_170 = arith.constant 1.000000e+30 : f32
      %broadcast_in_dim3A_171 = vector.broadcast %jit3A_170 : f32 to vector<32x128x1xf32>
      %select_n3A_172 = arith.select %and3A, %broadcast_in_dim3A_164, %broadcast_in_dim3A_171 : vector<32x128x1xi1>, vector<32x128x1xf32>
      %broadcast_in_dim3A_173 = arith.constant 0 : i32
      %broadcast_in_dim3A_174 = vector.broadcast %broadcast_in_dim3A_173 : i32 to vector<32x128x1xi32>
      %gt3A_175 = arith.constant 0.000000e+00 : f32
      %gt3A_176 = vector.broadcast %gt3A_175 : f32 to vector<32x128xf32>
      %gt3A_177 = arith.cmpf ogt, %sqrt3A_61, %gt3A_176 : vector<32x128xf32>
      %and3A_178 = arith.andi %gt3A_142, %gt3A_177 : vector<32x128xi1>
      %broadcast_in_dim3A_179 = vector.shape_cast %and3A_178 : vector<32x128xi1> to vector<32x128x1xi1>
      %broadcast_in_dim3A_180 = vector.shape_cast %sqrt3A_61 : vector<32x128xf32> to vector<32x128x1xf32>
      %jit3A_181 = arith.constant 1.000000e+30 : f32
      %broadcast_in_dim3A_182 = vector.broadcast %jit3A_181 : f32 to vector<32x128x1xf32>
      %select_n3A_183 = arith.select %broadcast_in_dim3A_179, %broadcast_in_dim3A_180, %broadcast_in_dim3A_182 : vector<32x128x1xi1>, vector<32x128x1xf32>
      %iota3A_184 = tpu.iota {dimensions = array<i32: 2>} : vector<32x128x10xi32>
      %add3A_185 = arith.constant 150 : i32
      %add3A_186 = vector.broadcast %add3A_185 : i32 to vector<32x128x10xi32>
      %add3A_187 = arith.addi %iota3A_184, %add3A_186 : vector<32x128x10xi32>
      %broadcast_in_dim3A_188 = arith.constant 1.000000e+30 : f32
      %broadcast_in_dim3A_189 = vector.broadcast %broadcast_in_dim3A_188 : f32 to vector<32x128x10xf32>
      %concatenate3A_190 = tpu.concatenate %broadcast_in_dim3A_146, %broadcast_in_dim3A_160, %broadcast_in_dim3A_174, %add3A_187 in 2 : vector<32x128x4xi32>, vector<32x128x1xi32>, vector<32x128x1xi32>, vector<32x128x10xi32> -> vector<32x128x16xi32>
      %concatenate3A_191 = tpu.concatenate %select_n3A_156, %select_n3A_172, %select_n3A_183, %broadcast_in_dim3A_189 in 2 : vector<32x128x4xf32>, vector<32x128x1xf32>, vector<32x128x1xf32>, vector<32x128x10xf32> -> vector<32x128x16xf32>
      %broadcast_in_dim3A_192 = arith.constant 0.000000e+00 : f32
      %broadcast_in_dim3A_193 = vector.broadcast %broadcast_in_dim3A_192 : f32 to vector<32x1xf32>
      %broadcast_in_dim3A_194 = arith.constant -1.000000e+30 : f32
      %broadcast_in_dim3A_195 = vector.broadcast %broadcast_in_dim3A_194 : f32 to vector<32x15xf32>
      %concatenate3A_196 = tpu.concatenate %broadcast_in_dim3A_193, %sqrt3A_61, %broadcast_in_dim3A_195 in 1 : vector<32x1xf32>, vector<32x128xf32>, vector<32x15xf32> -> vector<32x144xf32>
      %iota3A_197 = tpu.iota {dimensions = array<i32: 1>} : vector<32x144xi32>
      %reduce_max3A_198 = arith.constant dense<0xFF800000> : vector<32xf32>
      %reduce_max3A_199 = vector.multi_reduction <maximumf>, %concatenate3A_196, %reduce_max3A_198 [1] : vector<32x144xf32> to vector<32xf32>
      %broadcast_in_dim3A_200 = vector.shape_cast %reduce_max3A_199 : vector<32xf32> to vector<32x1xf32>
      %eq3A_201 = vector.broadcast %broadcast_in_dim3A_200 : vector<32x1xf32> to vector<32x144xf32>
      %eq3A_202 = arith.cmpf oeq, %concatenate3A_196, %eq3A_201 : vector<32x144xf32>
      %jit3A_203 = arith.constant -1 : i32
      %broadcast_in_dim3A_204 = vector.broadcast %jit3A_203 : i32 to vector<32x144xi32>
      %select_n3A_205 = arith.select %eq3A_202, %iota3A_197, %broadcast_in_dim3A_204 : vector<32x144xi1>, vector<32x144xi32>
      %reduce_max3A_206 = arith.constant dense<-2147483648> : vector<32xi32>
      %reduce_max3A_207 = vector.multi_reduction <maxsi>, %select_n3A_205, %reduce_max3A_206 [1] : vector<32x144xi32> to vector<32xi32>
      %broadcast_in_dim3A_208 = vector.shape_cast %reduce_max3A_207 : vector<32xi32> to vector<32x1xi32>
      %eq3A_209 = vector.broadcast %broadcast_in_dim3A_208 : vector<32x1xi32> to vector<32x144xi32>
      %eq3A_210 = arith.cmpi eq, %iota3A_197, %eq3A_209 : vector<32x144xi32>
      %jit3A_211 = arith.constant -3.000000e+38 : f32
      %broadcast_in_dim3A_212 = vector.broadcast %jit3A_211 : f32 to vector<32x144xf32>
      %select_n3A_213 = arith.select %eq3A_210, %broadcast_in_dim3A_212, %concatenate3A_196 : vector<32x144xi1>, vector<32x144xf32>
      %reduce_max3A_214 = arith.constant dense<0xFF800000> : vector<32xf32>
      %reduce_max3A_215 = vector.multi_reduction <maximumf>, %select_n3A_213, %reduce_max3A_214 [1] : vector<32x144xf32> to vector<32xf32>
      %broadcast_in_dim3A_216 = vector.shape_cast %reduce_max3A_215 : vector<32xf32> to vector<32x1xf32>
      %eq3A_217 = vector.broadcast %broadcast_in_dim3A_216 : vector<32x1xf32> to vector<32x144xf32>
      %eq3A_218 = arith.cmpf oeq, %select_n3A_213, %eq3A_217 : vector<32x144xf32>
      %jit3A_219 = arith.constant -1 : i32
      %broadcast_in_dim3A_220 = vector.broadcast %jit3A_219 : i32 to vector<32x144xi32>
      %select_n3A_221 = arith.select %eq3A_218, %iota3A_197, %broadcast_in_dim3A_220 : vector<32x144xi1>, vector<32x144xi32>
      %reduce_max3A_222 = arith.constant dense<-2147483648> : vector<32xi32>
      %reduce_max3A_223 = vector.multi_reduction <maxsi>, %select_n3A_221, %reduce_max3A_222 [1] : vector<32x144xi32> to vector<32xi32>
      %broadcast_in_dim3A_224 = vector.shape_cast %reduce_max3A_223 : vector<32xi32> to vector<32x1xi32>
      %eq3A_225 = vector.broadcast %broadcast_in_dim3A_224 : vector<32x1xi32> to vector<32x144xi32>
      %eq3A_226 = arith.cmpi eq, %iota3A_197, %eq3A_225 : vector<32x144xi32>
      %jit3A_227 = arith.constant -3.000000e+38 : f32
      %broadcast_in_dim3A_228 = vector.broadcast %jit3A_227 : f32 to vector<32x144xf32>
      %select_n3A_229 = arith.select %eq3A_226, %broadcast_in_dim3A_228, %select_n3A_213 : vector<32x144xi1>, vector<32x144xf32>
      %reduce_max3A_230 = arith.constant dense<0xFF800000> : vector<32xf32>
      %reduce_max3A_231 = vector.multi_reduction <maximumf>, %select_n3A_229, %reduce_max3A_230 [1] : vector<32x144xf32> to vector<32xf32>
      %broadcast_in_dim3A_232 = vector.shape_cast %reduce_max3A_231 : vector<32xf32> to vector<32x1xf32>
      %eq3A_233 = vector.broadcast %broadcast_in_dim3A_232 : vector<32x1xf32> to vector<32x144xf32>
      %eq3A_234 = arith.cmpf oeq, %select_n3A_229, %eq3A_233 : vector<32x144xf32>
      %jit3A_235 = arith.constant -1 : i32
      %broadcast_in_dim3A_236 = vector.broadcast %jit3A_235 : i32 to vector<32x144xi32>
      %select_n3A_237 = arith.select %eq3A_234, %iota3A_197, %broadcast_in_dim3A_236 : vector<32x144xi1>, vector<32x144xi32>
      %reduce_max3A_238 = arith.constant dense<-2147483648> : vector<32xi32>
      %reduce_max3A_239 = vector.multi_reduction <maxsi>, %select_n3A_237, %reduce_max3A_238 [1] : vector<32x144xi32> to vector<32xi32>
      %broadcast_in_dim3A_240 = vector.shape_cast %reduce_max3A_239 : vector<32xi32> to vector<32x1xi32>
      %eq3A_241 = vector.broadcast %broadcast_in_dim3A_240 : vector<32x1xi32> to vector<32x144xi32>
      %eq3A_242 = arith.cmpi eq, %iota3A_197, %eq3A_241 : vector<32x144xi32>
      %jit3A_243 = arith.constant -3.000000e+38 : f32
      %broadcast_in_dim3A_244 = vector.broadcast %jit3A_243 : f32 to vector<32x144xf32>
      %select_n3A_245 = arith.select %eq3A_242, %broadcast_in_dim3A_244, %select_n3A_229 : vector<32x144xi1>, vector<32x144xf32>
      %reduce_max3A_246 = arith.constant dense<0xFF800000> : vector<32xf32>
      %reduce_max3A_247 = vector.multi_reduction <maximumf>, %select_n3A_245, %reduce_max3A_246 [1] : vector<32x144xf32> to vector<32xf32>
      %broadcast_in_dim3A_248 = vector.shape_cast %reduce_max3A_247 : vector<32xf32> to vector<32x1xf32>
      %eq3A_249 = vector.broadcast %broadcast_in_dim3A_248 : vector<32x1xf32> to vector<32x144xf32>
      %eq3A_250 = arith.cmpf oeq, %select_n3A_245, %eq3A_249 : vector<32x144xf32>
      %jit3A_251 = arith.constant -1 : i32
      %broadcast_in_dim3A_252 = vector.broadcast %jit3A_251 : i32 to vector<32x144xi32>
      %select_n3A_253 = arith.select %eq3A_250, %iota3A_197, %broadcast_in_dim3A_252 : vector<32x144xi1>, vector<32x144xi32>
      %reduce_max3A_254 = arith.constant dense<-2147483648> : vector<32xi32>
      %reduce_max3A_255 = vector.multi_reduction <maxsi>, %select_n3A_253, %reduce_max3A_254 [1] : vector<32x144xi32> to vector<32xi32>
      %broadcast_in_dim3A_256 = vector.shape_cast %reduce_max3A_255 : vector<32xi32> to vector<32x1xi32>
      %eq3A_257 = vector.broadcast %broadcast_in_dim3A_256 : vector<32x1xi32> to vector<32x144xi32>
      %eq3A_258 = arith.cmpi eq, %iota3A_197, %eq3A_257 : vector<32x144xi32>
      %jit3A_259 = arith.constant -3.000000e+38 : f32
      %broadcast_in_dim3A_260 = vector.broadcast %jit3A_259 : f32 to vector<32x144xf32>
      %select_n3A_261 = arith.select %eq3A_258, %broadcast_in_dim3A_260, %select_n3A_245 : vector<32x144xi1>, vector<32x144xf32>
      %reduce_max3A_262 = arith.constant dense<0xFF800000> : vector<32xf32>
      %reduce_max3A_263 = vector.multi_reduction <maximumf>, %select_n3A_261, %reduce_max3A_262 [1] : vector<32x144xf32> to vector<32xf32>
      %broadcast_in_dim3A_264 = vector.shape_cast %reduce_max3A_263 : vector<32xf32> to vector<32x1xf32>
      %eq3A_265 = vector.broadcast %broadcast_in_dim3A_264 : vector<32x1xf32> to vector<32x144xf32>
      %eq3A_266 = arith.cmpf oeq, %select_n3A_261, %eq3A_265 : vector<32x144xf32>
      %jit3A_267 = arith.constant -1 : i32
      %broadcast_in_dim3A_268 = vector.broadcast %jit3A_267 : i32 to vector<32x144xi32>
      %select_n3A_269 = arith.select %eq3A_266, %iota3A_197, %broadcast_in_dim3A_268 : vector<32x144xi1>, vector<32x144xi32>
      %reduce_max3A_270 = arith.constant dense<-2147483648> : vector<32xi32>
      %reduce_max3A_271 = vector.multi_reduction <maxsi>, %select_n3A_269, %reduce_max3A_270 [1] : vector<32x144xi32> to vector<32xi32>
      %broadcast_in_dim3A_272 = vector.shape_cast %reduce_max3A_271 : vector<32xi32> to vector<32x1xi32>
      %concatenate3A_273 = tpu.concatenate %broadcast_in_dim3A_208, %broadcast_in_dim3A_224, %broadcast_in_dim3A_240, %broadcast_in_dim3A_256, %broadcast_in_dim3A_272 in 1 : vector<32x1xi32>, vector<32x1xi32>, vector<32x1xi32>, vector<32x1xi32>, vector<32x1xi32> -> vector<32x5xi32>
      %concatenate3A_274 = tpu.concatenate %broadcast_in_dim3A_200, %broadcast_in_dim3A_216, %broadcast_in_dim3A_232, %broadcast_in_dim3A_248, %broadcast_in_dim3A_264 in 1 : vector<32x1xf32>, vector<32x1xf32>, vector<32x1xf32>, vector<32x1xf32>, vector<32x1xf32> -> vector<32x5xf32>
      %gt3A_275 = arith.constant 0.000000e+00 : f32
      %gt3A_276 = vector.broadcast %gt3A_275 : f32 to vector<32x5xf32>
      %gt3A_277 = arith.cmpf ogt, %concatenate3A_274, %gt3A_276 : vector<32x5xf32>
      %jit3A_278 = arith.constant 1.000000e+30 : f32
      %broadcast_in_dim3A_279 = vector.broadcast %jit3A_278 : f32 to vector<32x5xf32>
      %select_n3A_280 = arith.select %gt3A_277, %concatenate3A_274, %broadcast_in_dim3A_279 : vector<32x5xi1>, vector<32x5xf32>
      %iota3A_281 = tpu.iota {dimensions = array<i32: 1>} : vector<32x11xi32>
      %add3A_282 = arith.constant 149 : i32
      %add3A_283 = vector.broadcast %add3A_282 : i32 to vector<32x11xi32>
      %add3A_284 = arith.addi %iota3A_281, %add3A_283 : vector<32x11xi32>
      %concatenate3A_285 = tpu.concatenate %concatenate3A_273, %add3A_284 in 1 : vector<32x5xi32>, vector<32x11xi32> -> vector<32x16xi32>
      %broadcast_in_dim3A_286 = arith.constant 1.000000e+30 : f32
      %broadcast_in_dim3A_287 = vector.broadcast %broadcast_in_dim3A_286 : f32 to vector<32x11xf32>
      %concatenate3A_288 = tpu.concatenate %select_n3A_280, %broadcast_in_dim3A_287 in 1 : vector<32x5xf32>, vector<32x11xf32> -> vector<32x16xf32>
      %broadcast_in_dim3A_289 = vector.shape_cast %concatenate3A_285 : vector<32x16xi32> to vector<32x1x16xi32>
      %concatenate3A_290 = tpu.concatenate %broadcast_in_dim3A_289, %concatenate3A_190 in 1 : vector<32x1x16xi32>, vector<32x128x16xi32> -> vector<32x129x16xi32>
      %swap3A_291 = arith.constant 0 : index
      %swap3A_292 = arith.constant 0 : index
      %swap3A_293 = arith.constant 0 : index
      %swap3A_294 = vector.load %arg11[%swap3A_291, %swap3A_292, %swap3A_293] : memref<32x129x16xi32, #tpu.memory_space<vmem>>, vector<32x129x16xi32>
      tpu.vector_store %arg11[%swap3A_291, %swap3A_292, %swap3A_293], %concatenate3A_290 {strides = array<i32>} : memref<32x129x16xi32, #tpu.memory_space<vmem>>, vector<32x129x16xi32>,
      %broadcast_in_dim3A_295 = vector.shape_cast %concatenate3A_288 : vector<32x16xf32> to vector<32x1x16xf32>
      %concatenate3A_296 = tpu.concatenate %broadcast_in_dim3A_295, %concatenate3A_191 in 1 : vector<32x1x16xf32>, vector<32x128x16xf32> -> vector<32x129x16xf32>
      %swap3A_297 = arith.constant 0 : index
      %swap3A_298 = arith.constant 0 : index
      %swap3A_299 = arith.constant 0 : index
      %swap3A_300 = vector.load %arg12[%swap3A_297, %swap3A_298, %swap3A_299] : memref<32x129x16xf32, #tpu.memory_space<vmem>>, vector<32x129x16xf32>
      tpu.vector_store %arg12[%swap3A_297, %swap3A_298, %swap3A_299], %concatenate3A_296 {strides = array<i32>} : memref<32x129x16xf32, #tpu.memory_space<vmem>>, vector<32x129x16xf32>,
      %dot_general3A_301 = arith.constant dense<0.000000e+00> : vector<32x128xf32>
      %dot_general3A_302 = tpu.matmul %slice3A, %get3A_44, %dot_general3A_301 {dimension_numbers = #tpu.dot_dimension_numbers<[1], [0], [0], [1], [0, 0, 1, 1], [], []>, transpose_lhs_hint = false} : vector<32x128xf32>, vector<128x128xf32>, vector<32x128xf32> -> vector<32x128xf32>
      %swap3A_303 = arith.constant 0 : index
      %swap3A_304 = arith.constant 0 : index
      %swap3A_305 = vector.load %arg8[%swap3A_303, %swap3A_304] : memref<32x128xf32, #tpu.memory_space<vmem>>, vector<32x128xf32>
      tpu.vector_store %arg8[%swap3A_303, %swap3A_304], %dot_general3A_302 {strides = array<i32>} : memref<32x128xf32, #tpu.memory_space<vmem>>, vector<32x128xf32>,
      %mul3A_306 = arith.mulf %slice3A, %slice3A_45 : vector<32x128xf32>
      %reduce_sum3A_307 = arith.constant dense<0.000000e+00> : vector<32xf32>
      %reduce_sum3A_308 = vector.multi_reduction <add>, %mul3A_306, %reduce_sum3A_307 [1] : vector<32x128xf32> to vector<32xf32>
      %broadcast_in_dim3A_309 = vector.shape_cast %reduce_sum3A_308 : vector<32xf32> to vector<32x1xf32>
      %swap3A_310 = arith.constant 0 : index
      %swap3A_311 = arith.constant 0 : index
      %swap3A_312 = vector.load %arg9[%swap3A_310, %swap3A_311] : memref<32x1xf32, #tpu.memory_space<vmem>>, vector<32x1xf32>
      tpu.vector_store %arg9[%swap3A_310, %swap3A_311], %broadcast_in_dim3A_309 {strides = array<i32>} : memref<32x1xf32, #tpu.memory_space<vmem>>, vector<32x1xf32>,
      tpu.enqueue_dma source(%arg11 : memref<32x129x16xi32, #tpu.memory_space<vmem>>) target(%arg6 : memref<32x129x16xi32, #tpu.memory_space<any>>) target_semaphore(%arg13 : memref<!tpu.dma_semaphore, #tpu.memory_space<semaphore_mem>>)
      tpu.enqueue_dma source(%arg12 : memref<32x129x16xf32, #tpu.memory_space<vmem>>) target(%arg7 : memref<32x129x16xf32, #tpu.memory_space<any>>) target_semaphore(%arg14 : memref<!tpu.dma_semaphore, #tpu.memory_space<semaphore_mem>>)
      tpu.wait_dma2 semaphore(%arg13 : memref<!tpu.dma_semaphore, #tpu.memory_space<semaphore_mem>>) src(%arg11 : memref<32x129x16xi32, #tpu.memory_space<vmem>>) dst(%arg6 : memref<32x129x16xi32, #tpu.memory_space<any>>)
      tpu.wait_dma2 semaphore(%arg14 : memref<!tpu.dma_semaphore, #tpu.memory_space<semaphore_mem>>) src(%arg12 : memref<32x129x16xf32, #tpu.memory_space<vmem>>) dst(%arg7 : memref<32x129x16xf32, #tpu.memory_space<any>>)
    } else {
    }
    return
  }
  func.func @transform_0(%arg0: i32) -> (i32, i32) {
    %mul3A = arith.constant 0 : i32
    %mul3A_0 = arith.muli %arg0, %mul3A : i32
    %c0_i32 = arith.constant 0 : i32
    return %mul3A_0, %arg0 : i32, i32
  }
  func.func @transform_1(%arg0: i32) -> (i32, i32) {
    %mul3A = arith.constant 0 : i32
    %mul3A_0 = arith.muli %arg0, %mul3A : i32
    %c0_i32 = arith.constant 0 : i32
    return %mul3A_0, %arg0 : i32, i32
  }
  func.func @transform_2(%arg0: i32) -> (i32, i32) {
    %mul3A = arith.constant 0 : i32
    %mul3A_0 = arith.muli %arg0, %mul3A : i32
    %c0_i32 = arith.constant 0 : i32
    return %arg0, %mul3A_0 : i32, i32
  }
  func.func @transform_3(%arg0: i32) -> (i32, i32) {
    %mul3A = arith.constant 0 : i32
    %mul3A_0 = arith.muli %arg0, %mul3A : i32
    %mul3A_1 = arith.constant 0 : i32
    %mul3A_2 = arith.muli %arg0, %mul3A_1 : i32
    %c0_i32 = arith.constant 0 : i32
    return %mul3A_0, %mul3A_2 : i32, i32
  }
  func.func @transform_4(%arg0: i32) -> (i32, i32) {
    %mul3A = arith.constant 0 : i32
    %mul3A_0 = arith.muli %arg0, %mul3A : i32
    %mul3A_1 = arith.constant 0 : i32
    %mul3A_2 = arith.muli %arg0, %mul3A_1 : i32
    %c0_i32 = arith.constant 0 : i32
    return %mul3A_0, %mul3A_2 : i32, i32
  }
  func.func @transform_7(%arg0: i32) -> (i32, i32) {
    %mul3A = arith.constant 0 : i32
    %mul3A_0 = arith.muli %arg0, %mul3A : i32
    %mul3A_1 = arith.constant 0 : i32
    %mul3A_2 = arith.muli %arg0, %mul3A_1 : i32
    %c0_i32 = arith.constant 0 : i32
    return %mul3A_0, %mul3A_2 : i32, i32
  }
  func.func @transform_8(%arg0: i32) -> (i32, i32) {
    %mul3A = arith.constant 0 : i32
    %mul3A_0 = arith.muli %arg0, %mul3A : i32
    %mul3A_1 = arith.constant 0 : i32
    %mul3A_2 = arith.muli %arg0, %mul3A_1 : i32
    %c0_i32 = arith.constant 0 : i32
    return %mul3A_0, %mul3A_2 : i32, i32
  }
}

module attributes {stable_mosaic.version = 14 : i64} {
  func.func @_finish_body(%arg0: memref<32x160xf32, #tpu.memory_space<vmem>>, %arg1: memref<32x128xf32, #tpu.memory_space<vmem>>, %arg2: memref<32x1xf32, #tpu.memory_space<vmem>>, %arg3: memref<32x129xf32, #tpu.memory_space<vmem>>) attributes {dimension_semantics = [], scalar_prefetch = 0 : i64, scratch_operands = 0 : i64, tpu.core_type = #tpu.core_type<tc>} {
    %get3A = arith.constant 0 : index
    %get3A_0 = arith.constant 0 : index
    %get3A_1 = vector.load %arg0[%get3A, %get3A_0] : memref<32x160xf32, #tpu.memory_space<vmem>>, vector<32x160xf32>
    %iota3A = tpu.iota {dimensions = array<i32: 1>} : vector<32x160xi32>
    %ge3A = arith.constant 1 : i32
    %ge3A_2 = vector.broadcast %ge3A : i32 to vector<32x160xi32>
    %ge3A_3 = arith.cmpi sge, %iota3A, %ge3A_2 : vector<32x160xi32>
    %lt3A = arith.constant 129 : i32
    %lt3A_4 = vector.broadcast %lt3A : i32 to vector<32x160xi32>
    %lt3A_5 = arith.cmpi slt, %iota3A, %lt3A_4 : vector<32x160xi32>
    %and3A = arith.andi %ge3A_3, %lt3A_5 : vector<32x160xi1>
    %lt3A_6 = arith.constant 1.000000e+29 : f32
    %lt3A_7 = vector.broadcast %lt3A_6 : f32 to vector<32x160xf32>
    %lt3A_8 = arith.cmpf olt, %get3A_1, %lt3A_7 : vector<32x160xf32>
    %and3A_9 = arith.andi %and3A, %lt3A_8 : vector<32x160xi1>
    %jit3A = arith.constant 0.000000e+00 : f32
    %broadcast_in_dim3A = vector.broadcast %jit3A : f32 to vector<32x160xf32>
    %select_n3A = arith.select %and3A_9, %get3A_1, %broadcast_in_dim3A : vector<32x160xi1>, vector<32x160xf32>
    %reduce_max3A = vector.shape_cast %select_n3A : vector<32x160xf32> to vector<1x32x160xf32>
    %reduce_max3A_10 = arith.constant dense<0xFF800000> : vector<1xf32>
    %reduce_max3A_11 = vector.multi_reduction <maximumf>, %reduce_max3A, %reduce_max3A_10 [1, 2] : vector<1x32x160xf32> to vector<1xf32>
    %reduce_max3A_12 = vector.shape_cast %reduce_max3A_11 : vector<1xf32> to vector<1x1x1xf32>
    %reduce_max3A_13 = vector.extract %reduce_max3A_12[0, 0, 0] : f32 from vector<1x1x1xf32>
    %add3A = arith.constant 1.000000e+00 : f32
    %add3A_14 = arith.addf %reduce_max3A_13, %add3A : f32
    %broadcast_in_dim3A_15 = vector.broadcast %add3A_14 : f32 to vector<32x160xf32>
    %select_n3A_16 = arith.select %lt3A_8, %get3A_1, %broadcast_in_dim3A_15 : vector<32x160xi1>, vector<32x160xf32>
    %add3A_17 = arith.constant 1.000000e+00 : f32
    %add3A_18 = vector.broadcast %add3A_17 : f32 to vector<32x160xf32>
    %add3A_19 = arith.addf %add3A_18, %select_n3A_16 : vector<32x160xf32>
    %div3A = arith.constant 1.000000e+00 : f32
    %div3A_20 = vector.broadcast %div3A : f32 to vector<32x160xf32>
    %div3A_21 = arith.divf %div3A_20, %add3A_19 : vector<32x160xf32>
    %slice3A = vector.extract_strided_slice %div3A_21 {offsets = [0, 1], sizes = [32, 128], strides = [1, 1]} : vector<32x160xf32> to vector<32x128xf32>
    %get3A_22 = arith.constant 0 : index
    %get3A_23 = arith.constant 0 : index
    %get3A_24 = vector.load %arg2[%get3A_22, %get3A_23] : memref<32x1xf32, #tpu.memory_space<vmem>>, vector<32x1xf32>
    %get3A_25 = arith.constant 0 : index
    %get3A_26 = arith.constant 0 : index
    %get3A_27 = vector.load %arg1[%get3A_25, %get3A_26] : memref<32x128xf32, #tpu.memory_space<vmem>>, vector<32x128xf32>
    %mul3A = arith.mulf %get3A_27, %slice3A : vector<32x128xf32>
    %concatenate3A = tpu.concatenate %get3A_24, %mul3A in 1 : vector<32x1xf32>, vector<32x128xf32> -> vector<32x129xf32>
    %div3A_28 = arith.constant 7.000000e-02 : f32
    %div3A_29 = vector.broadcast %div3A_28 : f32 to vector<32x129xf32>
    %div3A_30 = arith.divf %concatenate3A, %div3A_29 : vector<32x129xf32>
    %swap3A = arith.constant 0 : index
    %swap3A_31 = arith.constant 0 : index
    %swap3A_32 = vector.load %arg3[%swap3A, %swap3A_31] : memref<32x129xf32, #tpu.memory_space<vmem>>, vector<32x129xf32>
    tpu.vector_store %arg3[%swap3A, %swap3A_31], %div3A_30 {strides = array<i32>} : memref<32x129xf32, #tpu.memory_space<vmem>>, vector<32x129xf32>,
    return
  }
}

</mosaic_0001>

<sc_bundles>
// kernel: kernel.5.cloned.1.call-start
scs
__scs_entry_jumppad:
0x0: {  	(pc) =	sbr.rel $0x88, $3  }
0x1: {  	(tag) =	ssettag $0x0;
	lr =	simm.s32 $0x1  }
0x2: {  	[smem:$0x3F9C] =	sst lr;
	_ =	strace $0xD0000000  }
0x3: {  	_ = 	snop  }
0x4: {  	_ = 	snop  }
0x5: {  	_ = 	snop  }
0x6: {  	_ = 	snop  }
0x7: {  	_ = 	snop  }
__scs_overlays_trampoline_lowered:
0x8: {  	[smem:$0x3FAB] =	sst s0  }
0x9: {  	[smem:$0x3FAC] =	sst s1  }
0xa: {  	[smem:$0x3FAD] =	sst s2  }
0xb: {  	[smem:$0x3FAE] =	sst s3  }
0xc: {  	[smem:$0x3FAF] =	sst s4  }
0xd: {  	[smem:$0x3FB0] =	sst s5  }
0xe: {  	[smem:$0x3FB1] =	sst s6  }
0xf: {  	[smem:$0x3FB2] =	sst s7  }
0x10: {  	[smem:$0x3FB3] =	sst s8  }
0x11: {  	[smem:$0x3FB4] =	sst s9;
	s0 =	simm.s32 @!p0 $0x0  }
0x12: {  	s1 =	sld [smem:$0x3F9A];
	s0 =	simm.s32 @p0 $0x1  }
0x13: {  	[smem:$0x3FB5] =	sst s0;
	s0 =	simm.s32 @!p1 $0x0  }
0x14: {  	s2 =	sld [smem:$0x3F99];
	s0 =	simm.s32 @p1 $0x1  }
0x15: {  	[smem:$0x3FB6] =	sst s0;
	s0 =	simm.s32 @!p2 $0x0  }
0x16: {  	s3 =	sld [smem:$0x3FDB];
	s0 =	simm.s32 @p2 $0x1  }
0x17: {  	s4 =	simm.s32 $0x1BF5;
	[smem:$0x3FB8] =	sst s0  }
0x18: {  	s0 =	sld [smem:$0x3F9B];
	_ =	swait.ge [sflag:s4], $0x0  }
0x19: {  	s7 =	sld [smem:$0x3F9C]  }
0x1a: {  	s8 =	sadd.s32 $0xFFFFE003, lr  }
0x1b: {  	s9 =	sadd.s32 $0xFFFFFEF7, lr;
	s5 =	simm.s32 $0xFFFFFFFF;
	p2 =	slt.u32 s8, $0xFFFFF086  }
0x1c: {  	p1 =	slt.u32 s9, $0xF7A;
	s5 =	simm.s32 @!p2 $0x0  }
0x1d: {  	s5 =	simm.s32 @p1 $0x1;
	p0 =	seq.s32 s7, s2  }
0x1e: {  	s7 =	smul.u32 @!p0 $0xF7A, s2;
	p2 =	seq.s32 @!p0 s5, $0x0  }
0x1f: {  	s9 =	smul.u32 $0xF7A, s1;
	s8 =	simm.s32 @!p0 $0x1BF5;
	p2 =	por !p2, p0  }
0x20: {  	[sflag:s8] =	ssyncset.s32 @!p0 $0xFFFFF086;
	s6 =	sadd.s32 @!p0 s3, s7;
	s7 =	simm.s32 @!p0 $0x108  }
0x21: {  	s3 =	sadd.s32 s3, s9;
	s6 =	sadd.s32 @!p0 $0x88, s6;
	s7 =	simm.s32 @p2 $0x1082  }
0x22: {  	[simem:s7], [sflag:s8] =	dma.local @!p0 [hbm:s6], $0xF7A  }
0x23: {  	s9 =	sor.u32 $0xD0000000, s2;
	s6 =	simm.s32 $0x108;
	_ =	swait.ge @!p0 [sflag:s8], $0x0  }
0x24: {  	s3 =	sadd.s32 $0x88, s3;
	s6 =	simm.s32 @!p1 $0x1082;
	[sflag:s4] =	ssyncset.s32 $0xFFFFF086  }
0x25: {  	[simem:s6], [sflag:s4] =	dma.local [hbm:s3], $0xF7A  }
0x26: {  	[smem:$0x3F9C] =	sst s1;
	(tag) =	ssettag s2;
	_ =	strace s9  }
0x27: {  	s1 =	sld [smem:$0x3FAC]  }
0x28: {  	s2 =	sld [smem:$0x3FAD]  }
0x29: {  	s4 =	sld [smem:$0x3FAF]  }
0x2a: {  	p0 =	seq.s32 s5, $0x0;
	s5 =	sld [smem:$0x3FB0]  }
0x2b: {  	s6 =	sld [smem:$0x3FB1]  }
0x2c: {  	s7 =	sld [smem:$0x3FB2]  }
0x2d: {  	s3 =	simm.s32 $0x108;
	s8 =	sld [smem:$0x3FB3]  }
0x2e: {  	s3 =	simm.s32 @!p0 $0x1082;
	s9 =	sld [smem:$0x3FB4]  }
0x2f: {  	lr =	sadd.s32 s0, s3;
	s0 =	sld [smem:$0x3FAB]  }
0x30: {  	s3 =	sld [smem:$0x3FAE]  }
0x31: {  	[smem:$0x3FB7] =	sst s10  }
0x32: {  	s10 =	sld [smem:$0x3FB5];
	_ =	sdelay $0x3  }
0x33: {  	p0 =	seq.s32 s10, $0x1;
	s10 =	sld [smem:$0x3FB7];
	_ =	sdelay $0x3  }
0x34: {  	[smem:$0x3FB7] =	sst s10  }
0x35: {  	s10 =	sld [smem:$0x3FB6];
	_ =	sdelay $0x3  }
0x36: {  	p1 =	seq.s32 s10, $0x1;
	s10 =	sld [smem:$0x3FB7];
	_ =	sdelay $0x3  }
0x37: {  	[smem:$0x3FB7] =	sst s10  }
0x38: {  	s10 =	sld [smem:$0x3FB8]  }
0x39: {  	_ = 	snop;
	(pc) =	sbr.ind lr, $3  }
0x3a: {  	_ = 	snop  }
0x3b: {  	_ = 	snop  }
0x3c: {  	p2 =	seq.s32 s10, $0x1;
	s10 =	sld [smem:$0x3FB7]  }
0x3d: {  	_ =	shalt  }
0x3e: {  	_ =	shalt  }
0x3f: {  	_ =	shalt  }
0x40: {  	_ =	shalt  }
0x41: {  	_ =	shalt  }
0x42: {  	_ =	shalt  }
0x43: {  	_ =	shalt  }
0x44: {  	_ =	shalt  }
0x45: {  	_ =	shalt  }
0x46: {  	_ =	shalt  }
0x47: {  	_ =	shalt  }
0x48: {  	_ =	shalt  }
0x49: {  	_ =	shalt  }
0x4a: {  	_ =	shalt  }
0x4b: {  	_ =	shalt  }
0x4c: {  	_ =	shalt  }
0x4d: {  	_ =	shalt  }
0x4e: {  	_ =	shalt  }
0x4f: {  	_ =	shalt  }
0x50: {  	_ =	shalt  }
0x51: {  	_ =	shalt  }
0x52: {  	_ =	shalt  }
0x53: {  	_ =	shalt  }
0x54: {  	_ =	shalt  }
0x55: {  	_ =	shalt  }
0x56: {  	_ =	shalt  }
0x57: {  	_ =	shalt  }
0x58: {  	_ =	shalt  }
0x59: {  	_ =	shalt  }
0x5a: {  	_ =	shalt  }
0x5b: {  	_ =	shalt  }
0x5c: {  	_ =	shalt  }
0x5d: {  	_ =	shalt  }
0x5e: {  	_ =	shalt  }
0x5f: {  	_ =	shalt  }
0x60: {  	_ =	shalt  }
0x61: {  	_ =	shalt  }
0x62: {  	_ =	shalt  }
0x63: {  	_ =	shalt  }
0x64: {  	_ =	shalt  }
0x65: {  	_ =	shalt  }
0x66: {  	_ =	shalt  }
0x67: {  	_ =	shalt  }
0x68: {  	_ =	shalt  }
0x69: {  	_ =	shalt  }
0x6a: {  	_ =	shalt  }
0x6b: {  	_ =	shalt  }
0x6c: {  	_ =	shalt  }
0x6d: {  	_ =	shalt  }
0x6e: {  	_ =	shalt  }
0x6f: {  	_ =	shalt  }
0x70: {  	_ =	shalt  }
0x71: {  	_ =	shalt  }
0x72: {  	_ =	shalt  }
0x73: {  	_ =	shalt  }
0x74: {  	_ =	shalt  }
0x75: {  	_ =	shalt  }
0x76: {  	_ =	shalt  }
0x77: {  	_ =	shalt  }
0x78: {  	_ =	shalt  }
0x79: {  	_ =	shalt  }
0x7a: {  	_ =	shalt  }
0x7b: {  	_ =	shalt  }
0x7c: {  	_ =	shalt  }
0x7d: {  	_ =	shalt  }
0x7e: {  	_ =	shalt  }
0x7f: {  	_ =	shalt  }
0x80: {  	_ =	shalt  }
0x81: {  	_ =	shalt  }
0x82: {  	_ =	shalt  }
0x83: {  	_ =	shalt  }
0x84: {  	_ =	shalt  }
0x85: {  	_ =	shalt  }
0x86: {  	_ =	shalt  }
0x87: {  	_ =	shalt  }
.Lfunc_end0:
.L_simem_size_0:
called_computation_lowered:
.L_overlay_start_0:
0x88: {  	s2 =	sld [smem:$0x3FD9]  }
0x89: {  	s3 =	sld [smem:$0x3FFE];
	_ =	sdelay $0x1  }
0x8a: {  	s1 =	srdreg.scid  }
0x8b: {  	s0 =	sand.u32 $0x1, s1  }
0x8c: {  	s14 =	sshll.u32 s0, $0xA;
	s2 =	sadd.s32 s3, s2  }
0x8d: {  	s2 =	sadd.s32 s2, s14  }
0x8e: {  	[smem:$0x3FC3] =	sst s2  }
0x8f: {  	_ = 	snop  }
0x90: {  	s2 =	sld [smem:$0x3FD0];
	_ =	sdelay $0x2  }
0x91: {  	s15 =	simm.s32 $0xA;
	s4 =	simm.s32 $0x10  }
0x92: {  	[smem:s4], [sflag:s15] =	dma.local [hbm:s2], $0x1  }
0x93: {  	_ =	swait.eq [sflag:s15], $0x1  }
0x94: {  	[sflag:s15] =	ssyncset.done $0x0  }
0x95: {  	[sflag:s15] =	ssyncadd.s32 $0xFFFFFFFF  }
0x96: {  	s16 =	sld [smem:$0x10];
	(tm) =	ssettm $0x1  }
0x97: {  	s17 =	sld [smem:$0x3FFB];
	_ =	sdelay $0x3  }
0x98: {  	_ =	strace s17  }
0x99: {  	s3 =	sld [smem:$0x3FFC];
	_ =	sdelay $0x3  }
0x9a: {  	_ =	strace s3  }
0x9b: {  	s3 =	sld [smem:$0x3FFD];
	_ =	sdelay $0x3  }
0x9c: {  	_ =	strace s3  }
0x9d: {  	_ =	strace $0x8FFFFFFF  }
0x9e: {  	s18 =	sld [smem:$0x3FDB];
	_ =	sdelay $0x1  }
0x9f: {  	s19 =	simm.s32 $_scs_section_size  }
0xa0: {  	s5 =	simm.s32 $_size__tile_overlayer_lowered;
	s6 =	simm.s32 $_tile_overlayer_lowered  }
0xa1: {  	s22 =	simm.s32 $0x1BFF;
	s21 =	sshll.u32 s6, $0x1;
	s3 =	sadd.s32 s19, s18  }
0xa2: {  	s7 =	simm.s32 $0x0;
	s20 =	sshll.u32 s5, $0x1;
	s5 =	sadd.s32 s21, s3  }
0xa3: {  	[timem:s7], [sflag:s22] =	dma.local [hbm:s5], s20  }
0xa4: {  	_ =	swait.ge [sflag:s22], s20  }
0xa5: {  	s4 =	ssub.s32 $0x0, s20;
	[sflag:s22] =	ssyncset.done $0x0  }
0xa6: {  	[sflag:s22] =	ssyncadd.s32 s4;
	_ =	sdelay $0x1  }
0xa7: {  	s23 =	simm.s32 $0x1B8B  }
0xa8: {  	_ =	swait.ge [sflag:s23], $0x1  }
0xa9: {  	[sflag:s23] =	ssyncset.done $0x0  }
0xaa: {  	s25 =	simm.s32 $0x1B8E;
	s24 =	sld [smem:$0x3FFE];
	[sflag:s23] =	ssyncadd.s32 $0xFFFFFFFF  }
0xab: {  	s26 =	simm.s32 $execute0_lowered;
	[smem:$0x3FD2] =	sst s25  }
0xac: {  	s5 =	sshll.u32 s26, $0x1;
	_ =	strace $0x80000046;
	[dreg:$0x1] =	wrdreg $0xFFFFFFFF  }
0xad: {  	s28 =	simm.s32 $_size_execute0_lowered;
	s3 =	sadd.s32 s3, s5;
	[dreg:$0x0] =	wrdreg $0x0  }
0xae: {  	s5 =	sshll.u32 s28, $0x1;
	[dreg:$0x2] =	wrdreg s3  }
0xaf: {  	[dreg:$0x3] =	wrdreg s5  }
0xb0: {  	[dreg:$0x4] =	wrdreg $0xC0  }
0xb1: {  	_ =	task [dreg:s7], $0x5FFFF  }
0xb2: {  	[dreg:$0x1] =	wrdreg $0xFFFFFFFF  }
0xb3: {  	[dreg:$0x0] =	wrdreg $0x60  }
0xb4: {  	[dreg:$0x2] =	wrdreg s24  }
0xb5: {  	[dreg:$0x3] =	wrdreg s16  }
0xb6: {  	[dreg:$0x4] =	wrdreg $0x9  }
0xb7: {  	_ =	task.clear_ibuf [dreg:s7], $0x5FFFF;
	_ =	strace $0x90000046  }
0xb8: {  	s29 =	simm.s32 $0x9;
	_ =	strace $0x80000048  }
0xb9: {  	_ =	swait.ge [sflag:s29], $0x1  }
0xba: {  	[sflag:s29] =	ssyncadd.s32 $0xFFFFFFFF  }
0xbb: {  	_ =	strace $0x90000048  }
0xbc: {  	_ =	sfence  }
0xbd: {  	s30 =	sld [smem:$0x0];
	_ =	sdelay $0x2  }
0xbe: {  	s31 =	sshll.u32 s1, $0xD;
	s1 =	sshrl.u32 s1, $0x2  }
0xbf: {  	s3 =	sand.u32 $0x4000, s31;
	s1 =	sadd.s32 s1, s30  }
0xc0: {  	s0 =	sor.u32 s3, s0;
	s1 =	sshll.u32 s1, $0x11  }
0xc1: {  	s0 =	sor.u32 s1, s0  }
0xc2: {  	s0 =	sadd.s32 $0x8F2B, s0  }
0xc3: {  	[sflag:s0] =	ssyncadd.remote.s32 $0x1  }
0xc4: {  	_ =	sfence.sel $0xFFFF  }
0xc5: {  	[dreg:$0x0] =	wrdreg $0xFFFFFFFF;
	(pc) =	sbr.abs _section_cstart, $3  }
0xc6: {  	[dreg:$0x1] =	wrdreg $0xFFFFFFFF  }
0xc7: {  	_ =	task.clear_ibuf [dreg:s7], $0x2FFFF;
	_ =	strace $0x9FFFFFFF  }
0xc8: {  	(tm) =	ssettm $0x7FFFFFFF  }
0xc9: {  	_ =	shalt  }
tec
execute0_lowered:
.L_overlay_start_1:
0x0: {  	(tag) =	ssettag $0x1  }
0x1: {  	s1 =	srdreg.scid  }
0x2: {  	s0 =	stileid.u32;
	s4 =	rddreg [dreg:$0x0]  }
0x3: {  	s6 =	rddreg [dreg:$0x1];
	s2 =	simm.s32 $0x0;
	s11 =	simm.s32 $0x8A00  }
0x4: {  	s12 =	simm.s32 $0x80;
	s13 =	simm.s32 $0x400;
	s14 =	simm.s32 $0x0  }
0x5: {  	s3 =	sand.u32 $0x1, s1;
	s30 =	sshll.u32 s0, $0x1;
	s1 =	rddreg [dreg:$0x2]  }
0x6: {  	vm0 =	vcmask $0x300;
	v0 =	vimm.f32 $2.000000030e+30;
	[smem:$0x7FF] =	sst s2;
	s9 =	sshll.u32 s0, $0x6;
	s5 =	sor.u32 s3, s30  }
0x7: {  	v1 =	vimm.f32 $1.000000020e+30;
	v14 =	vlaneseq.u32;
	v2 =	vsel vm0, $0x7149F2CA, v0;
	s31 =	ssub.s32 $0x2, s3;
	_ =	strace $0x80000047;
	s9 =	sand.u32 $0x300, s9  }
0x8: {  	v3 =	vor.u32 $0x80000010, v14;
	v4 =	vor.u32 $0x80000020, v14;
	s7 =	smul.u32 $0x880, s5;
	s8 =	sshrl.u32 s31, $0x1;
	s5 =	sshll.u32 s5, $0x4  }
0x9: {  	v5 =	vor.u32 $0x80000030, v14;
	v6 =	vor.u32 $0x80000040, v14;
	s6 =	sadd.s32 s6, s9;
	s9 =	simm.s32 $0x8800;
	s10 =	sand.u32 $0x70, s5  }
0xa: {  	v7 =	vor.u32 $0x80000050, v14;
	v8 =	vor.u32 $0x80000060, v14;
	s5 =	simm.s32 $0x4400;
	s4 =	sadd.s32 s7, s4;
	s7 =	ssub.s32 s31, s8  }
0xb: {  	v11 =	vor.u32 $0x80000070, v14;
	v12 =	vor.u32 $0x80000000, v14;
	v13 =	vor.u32 $0x80000080, v14;
	s6 =	sadd.s32 s10, s6;
	s8 =	simm.s32 $0x1;
	s10 =	simm.s32 $0x8900  }
0xc: {  	v10 =	vimm.f32 $0.0e+00;
	v9 =	vsel vm0, $0x0, v1;
	v14 =	vor.u32 $0x80000090, v14;
	s3 =	sadd.s32 $0x126E00, s4;
	s4 =	sadd.s32 $0x137E00, s4;
	s7 =	smax.u32 s7, $0x1  }
.LBB2_1:
0xd: {  	[tilespmem:s2], [sflag:$0x1] =	stream.linear.gather [hbm4b:s3+s2], $0x4080, $0x38;
	[tilespmem:$0x8B00] =	vst v63  }
0xe: {  	_ =	swait.ge [sflag:s8], $0x4080  }
0xf: {  	[sflag:s8] =	ssyncset.done $0x0  }
0x10: {  	[sflag:s8] =	ssyncadd.s32 $0xFFFFBF80  }
0x11: {  	[tilespmem:s5], [sflag:$0x1] =	stream.linear.gather [hbm4b:s4+s2], $0x4080, $0x38;
	[tilespmem:$0x8B00] =	vst v63  }
0x12: {  	_ =	swait.ge [sflag:s8], $0x4080  }
0x13: {  	[sflag:s8] =	ssyncset.done $0x0  }
0x14: {  	[sflag:s8] =	ssyncadd.s32 $0xFFFFBF80  }
0x15: {  	[tilespmem:$0x8A00] =	vst v9  }
0x16: {  	[tilespmem:$0x8A10] =	vst v1;
	v15 =	vld [tilespmem:$0x8A00]  }
0x17: {  	v16 =	vld [tilespmem:$0x8A10]  }
0x18: {  	[tilespmem:$0x8A20] =	vst v1  }
0x19: {  	v17 =	vld [tilespmem:$0x8A20]  }
0x1a: {  	[tilespmem:$0x8A30] =	vst v1  }
0x1b: {  	v18 =	vld [tilespmem:$0x8A30]  }
0x1c: {  	[tilespmem:$0x8A40] =	vst v1;
	vm0 =	vlt.f32 v16, v15  }
0x1d: {  	v15 =	vsel vm0, v16, v15;
	v16 =	vld [tilespmem:$0x8A40]  }
0x1e: {  	[tilespmem:$0x8A50] =	vst v1;
	vm1 =	vlt.f32 v17, v15  }
0x1f: {  	v15 =	vsel vm1, v17, v15;
	v17 =	vld [tilespmem:$0x8A50]  }
0x20: {  	[tilespmem:$0x8A60] =	vst v1;
	vm2 =	vlt.f32 v18, v15  }
0x21: {  	v60 =	vld [tilespmem:$0x8A60];
	v15 =	vsel vm2, v18, v15  }
0x22: {  	[tilespmem:$0x8A70] =	vst v1;
	vm3 =	vlt.f32 v16, v15  }
0x23: {  	v15 =	vsel vm3, v16, v15;
	v16 =	vld [tilespmem:$0x8A70]  }
0x24: {  	[tilespmem:$0x8A80] =	vst v2;
	vm4 =	vlt.f32 v17, v15  }
0x25: {  	v15 =	vsel vm4, v17, v15;
	v17 =	vld [tilespmem:$0x8A80]  }
0x26: {  	[tilespmem:$0x8A90] =	vst v0;
	vm5 =	vlt.f32 v60, v15  }
0x27: {  	v61 =	vld [tilespmem:$0x8A90];
	v15 =	vsel vm5, v60, v15  }
0x28: {  	vm6 =	vlt.f32 v16, v15  }
0x29: {  	v15 =	vsel vm6, v16, v15  }
0x2a: {  	vm7 =	vlt.f32 v17, v15  }
0x2b: {  	v15 =	vsel vm7, v17, v15  }
0x2c: {  	vm8 =	vlt.f32 v61, v15  }
0x2d: {  	v15 =	vsel vm8, v61, v15  }
0x2e: {  	(xrf0) =	vmin.scan.msk.f32 $0xffff, v15  }
0x2f: {  	v16 =	vsel vm0, v3, v12  }
0x30: {  	v16 =	vsel vm1, v4, v16  }
0x31: {  	v16 =	vsel vm2, v5, v16  }
0x32: {  	v16 =	vsel vm3, v6, v16  }
0x33: {  	v16 =	vsel vm4, v7, v16  }
0x34: {  	v16 =	vsel vm5, v8, v16;
	v17, _, _ =	vpop (xrf0)  }
0x35: {  	v16 =	vsel vm6, v11, v16;
	v17 =	vbroadcast v17, $0xF  }
0x36: {  	v16 =	vsel vm7, v13, v16  }
0x37: {  	vm15 =	veq.f32 v15, v17;
	v15 =	vsel vm8, v14, v16  }
0x38: {  	v15 =	vnsel vm15, $0x80002710, v15  }
0x39: {  	(xrf0) =	vmin.scan.msk.u32 $0xffff, v15;
	_ =	sdelay $0x3  }
0x3a: {  	[tilespmem:$0x8800] =	vst v9  }
0x3b: {  	[tilespmem:$0x8900] =	vst v10  }
0x3c: {  	[tilespmem:$0x8810] =	vst v1;
	v15, _, _ =	vpop (xrf0)  }
0x3d: {  	[tilespmem:$0x8910] =	vst v10;
	(v2sf) =	vpush v15, $0xF  }
0x3e: {  	[tilespmem:$0x8820] =	vst v1  }
0x3f: {  	[tilespmem:$0x8920] =	vst v10  }
0x40: {  	[tilespmem:$0x8830] =	vst v1  }
0x41: {  	[tilespmem:$0x8930] =	vst v10  }
0x42: {  	[tilespmem:$0x8840] =	vst v1  }
0x43: {  	[tilespmem:$0x8940] =	vst v10  }
0x44: {  	[tilespmem:$0x8850] =	vst v1  }
0x45: {  	[tilespmem:$0x8950] =	vst v10  }
0x46: {  	[tilespmem:$0x8860] =	vst v1  }
0x47: {  	[tilespmem:$0x8960] =	vst v10  }
0x48: {  	[tilespmem:$0x8870] =	vst v1  }
0x49: {  	[tilespmem:$0x8970] =	vst v10  }
0x4a: {  	[tilespmem:$0x8880] =	vst v1  }
0x4b: {  	[tilespmem:$0x8980] =	vst v9  }
0x4c: {  	[tilespmem:$0x8890] =	vst v1;
	s15 =	spop (v2sf)  }
0x4d: {  	[tilespmem:$0x8990] =	vst v1;
	s16 =	sshll.u32 s15, $0x7  }
0x4e: {  	v16 =	vld [tilespmem:s16+$0x0];
	_ =	sdelay $0x5  }
0x4f: {  	v15 =	vld [tilespmem:s16+$0x4400];
	_ =	sdelay $0x1  }
0x50: {  	v62 =	vld.idx.msk [tilespmem:v16+s9+$0x0], $0xffff;
	_ =	sdelay $0x2  }
0x51: {  	v15 =	vadd.f32 v17, v15;
	_ =	sdelay $0x1  }
0x52: {  	v17 =	vmin.f32 v62, v15  }
0x53: {  	[tilespmem:v16+s9+$0x0] =	vst.idx.msk $0xffff, v17  }
0x54: {  	v63 =	vld.idx.msk [tilespmem:v16+s10+$0x0], $0xffff;
	_ =	sdelay $0x1  }
0x55: {  	s15 =	sxor.u32 $0x80000000, s15  }
0x56: {  	v15 =	vmov s15;
	_ =	sdelay $0x1  }
0x57: {  	v17 =	vadd.f32 v17, v63;
	_ =	sdelay $0x1  }
0x58: {  	[tilespmem:v16+s11+$0x0] =	vst.idx.msk $0xffff, v17  }
0x59: {  	s15 =	simm.s32 $0x80;
	[tilespmem:v15+s10+$0x0] =	vst.idx.msk $0x1, v1  }
.LBB2_2:
0x5a: {  	p0 =	sne.s32 s15, $0x1;
	s15 =	sadd.s32 $0xFFFFFFFF, s15;
	[tilespmem:v15+s11+$0x0] =	vst.idx.msk $0x1, v1  }
0x5b: {  	v15 =	vld [tilespmem:$0x8A00]  }
0x5c: {  	v16 =	vld [tilespmem:$0x8A10];
	_ =	sdelay $0x1  }
0x5d: {  	v17 =	vld [tilespmem:$0x8A20];
	_ =	sdelay $0x1  }
0x5e: {  	v18 =	vld [tilespmem:$0x8A30]  }
0x5f: {  	vm0 =	vlt.f32 v16, v15  }
0x60: {  	v15 =	vsel vm0, v16, v15;
	v16 =	vld [tilespmem:$0x8A40]  }
0x61: {  	vm1 =	vlt.f32 v17, v15  }
0x62: {  	v15 =	vsel vm1, v17, v15;
	v17 =	vld [tilespmem:$0x8A50]  }
0x63: {  	vm2 =	vlt.f32 v18, v15  }
0x64: {  	v15 =	vsel vm2, v18, v15;
	v18 =	vld [tilespmem:$0x8A60]  }
0x65: {  	vm3 =	vlt.f32 v16, v15  }
0x66: {  	v15 =	vsel vm3, v16, v15;
	v16 =	vld [tilespmem:$0x8A70]  }
0x67: {  	vm4 =	vlt.f32 v17, v15  }
0x68: {  	v15 =	vsel vm4, v17, v15;
	v17 =	vld [tilespmem:$0x8A80]  }
0x69: {  	vm5 =	vlt.f32 v18, v15  }
0x6a: {  	v15 =	vsel vm5, v18, v15;
	v18 =	vld [tilespmem:$0x8A90]  }
0x6b: {  	vm6 =	vlt.f32 v16, v15  }
0x6c: {  	v15 =	vsel vm6, v16, v15  }
0x6d: {  	vm7 =	vlt.f32 v17, v15  }
0x6e: {  	v15 =	vsel vm7, v17, v15  }
0x6f: {  	vm8 =	vlt.f32 v18, v15  }
0x70: {  	v15 =	vsel vm8, v18, v15  }
0x71: {  	(xrf0) =	vmin.scan.msk.f32 $0xffff, v15  }
0x72: {  	v16 =	vsel vm0, v3, v12  }
0x73: {  	v16 =	vsel vm1, v4, v16  }
0x74: {  	v16 =	vsel vm2, v5, v16  }
0x75: {  	v16 =	vsel vm3, v6, v16  }
0x76: {  	v16 =	vsel vm4, v7, v16  }
0x77: {  	v16 =	vsel vm5, v8, v16;
	v17, _, _ =	vpop (xrf0)  }
0x78: {  	v16 =	vsel vm6, v11, v16;
	v17 =	vbroadcast v17, $0xF  }
0x79: {  	v16 =	vsel vm7, v13, v16  }
0x7a: {  	vm0 =	veq.f32 v15, v17;
	v15 =	vsel vm8, v14, v16  }
0x7b: {  	v15 =	vnsel vm0, $0x80002710, v15  }
0x7c: {  	(xrf0) =	vmin.scan.msk.u32 $0xffff, v15;
	_ =	sdelay $0x5  }
0x7d: {  	v15, _, _ =	vpop (xrf0)  }
0x7e: {  	(v2sf) =	vpush v15, $0xF;
	_ =	sdelay $0xe  }
0x7f: {  	s16 =	spop (v2sf)  }
0x80: {  	s17 =	sxor.u32 $0x80000000, s16;
	s16 =	sshll.u32 s16, $0x7  }
0x81: {  	v16 =	vld [tilespmem:s16+$0x0];
	_ =	sdelay $0x6  }
0x82: {  	v15 =	vld [tilespmem:s16+$0x4400]  }
0x83: {  	v18 =	vld.idx.msk [tilespmem:v16+s9+$0x0], $0xffff;
	_ =	sdelay $0x3  }
0x84: {  	v15 =	vadd.f32 v17, v15;
	_ =	sdelay $0x1  }
0x85: {  	v17 =	vmin.f32 v18, v15  }
0x86: {  	[tilespmem:v16+s9+$0x0] =	vst.idx.msk $0xffff, v17  }
0x87: {  	v18 =	vld.idx.msk [tilespmem:v16+s10+$0x0], $0xffff;
	_ =	sdelay $0x3  }
0x88: {  	v15 =	vmov s17  }
.Ltmp0:
0x89: {  	(pc) =	sbr.rel @p0 .LBB2_2-.Ltmp0, $3  }
0x8a: {  	v17 =	vadd.f32 v17, v18;
	_ =	sdelay $0x1  }
0x8b: {  	[tilespmem:v16+s11+$0x0] =	vst.idx.msk $0xffff, v17  }
0x8c: {  	[tilespmem:v15+s10+$0x0] =	vst.idx.msk $0x1, v1  }
0x8d: {  	_ =	sdelay $0x1  }
0x8e: {  	s14 =	sadd.s32 $0x1, s14  }
0x8f: {  	p0 =	sne.s32 s14, s7  }
.Ltmp1:
0x90: {  	[tilespmem:v15+s11+$0x0] =	vst.idx.msk $0x1, v1;
	(pc) =	sbr.rel @p0 .LBB2_1-.Ltmp1, $4  }
0x91: {  	[hbm4b:s6+s12] =	stream.strided.scatter [tilespmem:s9], [sflag:$0x1], $0x100, s13, s12, $0x38;
	[tilespmem:$0x8B00] =	vst v63  }
0x92: {  	_ =	swait.ge [sflag:s8], $0x100  }
0x93: {  	[sflag:s8] =	ssyncset.done $0x0  }
0x94: {  	[sflag:s8] =	ssyncadd.s32 $0xFFFFFF00  }
0x95: {  	_ =	sfence.sel $0x180000  }
0x96: {  	[bflag:$0x0] =	sbarrier.arrive $0xFFFF  }
0x97: {  	p0 =	sne.s32 s0, $0x0;
	_ =	strace $0x90000047  }
0x98: {  	s0 =	sadd.s32 @!p0 $0x100000, s1;
	[bflag:$0x2] =	sbarrier.arrive $0xFFFF  }
0x99: {  	[sflag:s0] =	ssyncadd.tile.s32 @!p0 $0x1;
	_ =	shalt  }
.Lfunc_end2:
_tile_overlayer_lowered:
.L_overlay_start_2:
0x9a: {  	(tag) =	ssettag $0x2  }
0x9b: {  	s0 =	rddreg [dreg:$0x0];
	s2 =	stileid.u32  }
0x9c: {  	s1 =	rddreg [dreg:$0x1];
	p0 =	sne.s32 s2, $0x0  }
0x9d: {  	s3 =	rddreg [dreg:$0x2];
	[bflag:$0x3] =	sbarrier.arrive $0xFFFF;
	s2 =	simm.s32 @!p0 $0x1C01  }
0x9e: {  	[timem:s3], [sflag:s2] =	dma.local @!p0 [hbm:s0], s1  }
0x9f: {  	s0 =	simm.s32 @!p0 $0x1  }
0xa0: {  	_ =	swait.ge @!p0 [sflag:s0], s1  }
0xa1: {  	s1 =	ssub.s32 @!p0 $0x0, s1;
	[sflag:s0] =	ssyncset.done @!p0 $0x0  }
0xa2: {  	[sflag:s0] =	ssyncadd.s32 @!p0 s1  }
0xa3: {  	[bflag:$0x3] =	sbarrier.arrive $0xFFFF  }
0xa4: {  	_ =	shalt  }

</sc_bundles>
